<compile_context>
chip_gen: v7x
topology: tpu7x:2x2x1
jax: 0.10.2.dev20260603
libtpu: 0.0.44.dev20260713+nightly
codegen_flags: <defaults>
</compile_context>

<pallas_src>
import functools

import jax
import jax.numpy as jnp
from jax import lax
from jax.experimental import pallas as pl
from jax.experimental.pallas import tpu as pltpu
from jax.experimental.pallas import tpu_sc as plsc

B = 128
P = 10
K = 5
LP = 5
D = 1000
PE_W = (K * LP + 1) * D
PR_W = K * LP * D
KR_W = K * D
NW = 32
RPW = B // NW
A_W = 24960
A_CH = 8320
SLAB_W = PE_W - A_W


def _l2n(v):
    return v * lax.rsqrt(jnp.maximum(jnp.sum(v * v, axis=1, keepdims=True), 1e-12))


def _selection(x, pk, pf):
    pn = _l2n(pk)
    xn = _l2n(x)
    sim = lax.dot_general(xn, pn, (((1,), (1,)), ((), ())))

    colj = lax.broadcasted_iota(jnp.int32, (1, P), 1)
    rank = jnp.zeros((B, P), jnp.int32)
    for jp in range(P):
        sj = sim[:, jp:jp + 1]
        gt = (sj > sim).astype(jnp.int32)
        eq = (sj == sim).astype(jnp.int32) * (colj > jp).astype(jnp.int32)
        rank = rank + gt + eq
    in_top = (rank < K).astype(jnp.int32)
    counts = jnp.sum(in_top, axis=0, keepdims=True)

    crank = jnp.zeros((1, P), jnp.int32)
    for jp in range(P):
        cj = counts[:, jp:jp + 1]
        gt = (cj > counts).astype(jnp.int32)
        eq = (cj == counts).astype(jnp.int32) * (colj > jp).astype(jnp.int32)
        crank = crank + gt + eq
    sel = crank < K
    self32 = sel.astype(jnp.float32)

    hi = jax.lax.Precision.HIGHEST
    r_io = lax.broadcasted_iota(jnp.int32, (P, P), 0)
    c_io = lax.broadcasted_iota(jnp.int32, (P, P), 1)
    strict_lt = (r_io < c_io).astype(jnp.float32)
    pos = lax.dot_general(self32, strict_lt, (((1,), (0,)), ((), ())),
                          precision=hi)

    s_io = lax.broadcasted_iota(jnp.int32, (K, P), 0).astype(jnp.float32)
    oh = ((s_io == pos) & sel).astype(jnp.float32)

    coljf = colj.astype(jnp.float32)
    major_f = lax.dot_general(coljf, oh, (((1,), (1,)), ((), ())),
                              precision=hi)

    sel_key = lax.dot_general(oh, pn, (((1,), (0,)), ((), ())),
                              precision=hi)
    sel_pr = None
    if pf is not None:
        sel_pr = lax.dot_general(oh, pf, (((1,), (0,)), ((), ())),
                                 precision=hi)
    return pn, xn, sim, major_f, sel_key, sel_pr


def _tc_body1(x_ref, pf_ref, pk_ref, pr8a_ref, slab_ref, bk8_ref):
    x = x_ref[...]
    _, _, _, _, sel_key, sel_pr = _selection(x, pk_ref[...], pf_ref[...])
    krow = jnp.concatenate([sel_key[s:s + 1, :] for s in range(K)], axis=1)
    prow = jnp.concatenate([sel_pr[s:s + 1, :] for s in range(K)], axis=1)
    pr8a_ref[...] = jnp.broadcast_to(prow[:, :A_W], (8, A_W))
    slab_ref[...] = jnp.concatenate(
        [jnp.broadcast_to(prow[:, A_W:], (B, PR_W - A_W)), x], axis=1)
    bk8_ref[...] = jnp.broadcast_to(krow, (8, KR_W))


def _tc_body2(x_ref, pk_ref, idx_ref, pn_ref, xn_ref, sim_ref, rs_ref):
    pn, xn, sim, major_f, sel_key, _ = _selection(
        x_ref[...], pk_ref[...], None)
    idx_ref[...] = jnp.broadcast_to(major_f.astype(jnp.int32), (B, K))
    pn_ref[...] = pn
    xn_ref[...] = xn
    sim_ref[...] = sim
    ksum = jnp.sum(sel_key, axis=0, keepdims=True)
    xnsum = jnp.sum(xn, axis=0, keepdims=True)
    rs_ref[...] = (jnp.sum(ksum * xnsum) / B).reshape(1, 1)


_mesh = plsc.VectorSubcoreMesh(core_axis_name="c", subcore_axis_name="s")


@functools.partial(
    pl.kernel,
    mesh=_mesh,
    out_type=[
        jax.ShapeDtypeStruct((B, PE_W), jnp.float32),
        jax.ShapeDtypeStruct((B, KR_W), jnp.float32),
    ],
    scratch_types=[
        pltpu.VMEM((8, A_CH), jnp.float32),
        pltpu.VMEM((16, SLAB_W), jnp.float32),
        pltpu.VMEM((8, KR_W), jnp.float32),
        pltpu.SemaphoreType.DMA,
    ],
)
def _sc_broadcast(pr8a_hbm, slab_hbm, bk8_hbm, pe_hbm, bkn_hbm,
                  bufa, bufb, bufc, sem):
    cid = lax.axis_index("c")
    sid = lax.axis_index("s")
    wid = sid * 2 + cid

    @pl.when(wid < 24)
    def _():
        k = wid // 8
        p = wid % 8
        c0 = pl.multiple_of(k * A_CH, 128)
        pltpu.async_copy(pr8a_hbm.at[:, pl.ds(c0, A_CH)], bufa, sem).wait()
        cps = []
        for t in range(2):
            r0 = pl.multiple_of((2 * p + t) * 8, 8)
            cps.append(pltpu.async_copy(
                bufa, pe_hbm.at[pl.ds(r0, 8), pl.ds(c0, A_CH)], sem))
        for cp in cps:
            cp.wait()

    @pl.when(wid >= 24)
    def _():
        g = wid - 24
        r0 = pl.multiple_of(g * 16, 8)
        s0 = pltpu.async_copy(slab_hbm.at[pl.ds(r0, 16), :], bufb, sem)
        s1 = pltpu.async_copy(bk8_hbm, bufc, sem)
        s0.wait()
        s1.wait()
        c0 = pltpu.async_copy(
            bufb, pe_hbm.at[pl.ds(r0, 16), pl.ds(A_W, SLAB_W)], sem)
        r1 = pl.multiple_of(g * 16 + 8, 8)
        c1 = pltpu.async_copy(bufc, bkn_hbm.at[pl.ds(r0, 8), :], sem)
        c2 = pltpu.async_copy(bufc, bkn_hbm.at[pl.ds(r1, 8), :], sem)
        c0.wait()
        c1.wait()
        c2.wait()


def kernel(x, prompt, prompt_key):
    pf = prompt.reshape(P, LP * D)
    pr8a, slab, bk8 = pl.pallas_call(
        _tc_body1,
        out_shape=[
            jax.ShapeDtypeStruct((8, A_W), jnp.float32),
            jax.ShapeDtypeStruct((B, SLAB_W), jnp.float32),
            jax.ShapeDtypeStruct((8, KR_W), jnp.float32),
        ],
    )(x, pf, prompt_key)

    pe, bkn = _sc_broadcast(pr8a, slab, bk8)

    idx_b, pn, xn, sim, rs = pl.pallas_call(
        _tc_body2,
        out_shape=[
            jax.ShapeDtypeStruct((B, K), jnp.int32),
            jax.ShapeDtypeStruct((P, D), jnp.float32),
            jax.ShapeDtypeStruct((B, D), jnp.float32),
            jax.ShapeDtypeStruct((B, P), jnp.float32),
            jax.ShapeDtypeStruct((1, 1), jnp.float32),
        ],
    )(x, prompt_key)
    return (idx_b, pn, xn, sim, bkn.reshape(B, K, D), rs[0, 0], pe)

# --- scband reference (transcript-rebuilt; emitter-appended) ---
"""Pipeline reference for scband-prompt-30846455120050 (READ-ONLY COPY).

The authoritative reference and input builder live on the scoring server;
editing this copy changes nothing except your own understanding.
"""

import jax, jax.numpy as jnp
import numpy as np


def l2_normalize(x, axis, epsilon=1e-12):
    square_sum = jnp.sum(jnp.square(x), axis=axis, keepdims=True)
    x_inv_norm = jax.lax.rsqrt(jnp.maximum(square_sum, epsilon))
    return x * x_inv_norm


def setup_inputs(seed: int = 0) -> dict:
    key = jax.random.key(seed)
    k1, k2, k3 = jax.random.split(key, 3)
    x = jax.random.normal(k1, (128, 1000), dtype=jnp.float32)
    prompt = jax.random.uniform(k2, (10, 5, 1000), minval=0.0, maxval=0.01, dtype=jnp.float32)
    prompt_key = jax.random.uniform(k3, (10, 1000), minval=0.0, maxval=0.01, dtype=jnp.float32)
    return {"x": x, "prompt": prompt, "prompt_key": prompt_key}


def reference(x, prompt, prompt_key):
    # l2-normalize keys (axis=1) and input embeddings (axis=1)
    prompt_norm = l2_normalize(prompt_key, 1)
    x_embed_norm = l2_normalize(x, 1)
    # cosine similarity [B, 10]
    similarity = jnp.matmul(x_embed_norm, prompt_norm.T)
    # per-example top-5 prompt indices
    _, idx = jax.lax.top_k(similarity, 5)
    # batch-majority vote: fixed-size histogram over all prompt ids, take top-5 most frequent
    num_prompts = prompt_key.shape[0]
    id_counts = jnp.bincount(idx.ravel(), length=num_prompts)
    _, major_idx = jax.lax.top_k(id_counts, 5)
    major_prompt_id = jnp.sort(major_idx)
    bs = x_embed_norm.shape[0]
    # expand_to_batch(major_prompt_id, bs) -> [B, 5]
    idx_b = jnp.tile(major_prompt_id[None, :], (bs, 1))
    # gather selected prompts [5, 5, 1000] then tile to [B, 5, 5, 1000]
    batched_prompt_raw = jnp.take(prompt, major_prompt_id, axis=0)
    batched_prompt_raw = jnp.tile(batched_prompt_raw[None, :, :, :], (bs, 1, 1, 1))
    allowed_size, prompt_len, embed_dim = 5, 5, 1000
    batched_prompt = jnp.reshape(batched_prompt_raw, (bs, allowed_size * prompt_len * embed_dim))
    # selected key norms [B, 5, 1000]
    batched_key_norm = jnp.take(prompt_norm, major_prompt_id, axis=0)
    batched_key_norm = jnp.tile(batched_key_norm[None, :, :], (bs, 1, 1))
    sim = batched_key_norm * x_embed_norm[:, None, :]
    reduce_sim = jnp.sum(sim) / bs
    prompted_embedding = jnp.concatenate([batched_prompt, x], axis=1)
    return (idx_b, prompt_norm, x_embed_norm, similarity, batched_key_norm, reduce_sim, prompted_embedding)

if __name__ == "__main__":
    import jax
    _d = setup_inputs()
    print(jax.jit(kernel)(*tuple(_d.values())))

</pallas_src>

<mosaic_0001>
#map = affine_map<(d0, d1) -> (0, 0)>
module attributes {stable_mosaic.version = 14 : i64} {
  func.func @_sc_broadcast(%arg0: i32, %arg1: i32, %arg2: memref<8x24960xf32, #tpu.memory_space<hbm>>, %arg3: memref<128x1040xf32, #tpu.memory_space<hbm>>, %arg4: memref<8x5000xf32, #tpu.memory_space<hbm>>, %arg5: memref<128x26000xf32, #tpu.memory_space<hbm>>, %arg6: memref<128x5000xf32, #tpu.memory_space<hbm>>, %arg7: memref<8x8320xf32, #tpu.memory_space<vmem>>, %arg8: memref<16x1040xf32, #tpu.memory_space<vmem>>, %arg9: memref<8x5000xf32, #tpu.memory_space<vmem>>, %arg10: memref<!tpu.dma_semaphore, #tpu.memory_space<semaphore_mem>>) attributes {dimension_semantics = [#tpu.dimension_semantics<core_parallel>, #tpu.dimension_semantics<subcore_parallel>], iteration_bounds = array<i64: 2, 16>, scalar_prefetch = 0 : i64, scratch_operands = 4 : i64, tpu.core_type = #tpu.core_type<sc_vector_subcore>, window_params = [{transform_indices = #map}, {transform_indices = #map}, {transform_indices = #map}, {transform_indices = #map}, {transform_indices = #map}]} {
    %mul3A = arith.constant 2 : i32
    %mul3A_0 = arith.muli %arg1, %mul3A : i32
    %add3A = arith.addi %mul3A_0, %arg0 : i32
    %lt3A = arith.constant 24 : i32
    %lt3A_1 = arith.cmpi slt, %add3A, %lt3A : i32
    %convert_element_type3A = arith.extui %lt3A_1 : i1 to i32
    %cond3A = arith.constant 0 : i32
    %cond3A_2 = arith.cmpi ne, %convert_element_type3A, %cond3A : i32
    scf.if %cond3A_2 {
      %jit3A = arith.constant 8 : i32
      %div3A = arith.divsi %add3A, %jit3A : i32
      %sign3A = arith.constant 0 : i32
      %sign3A_7 = arith.cmpi sgt, %add3A, %sign3A : i32
      %sign3A_8 = arith.extui %sign3A_7 : i1 to i32
      %sign3A_9 = arith.constant 0 : i32
      %sign3A_10 = arith.cmpi slt, %add3A, %sign3A_9 : i32
      %sign3A_11 = arith.extui %sign3A_10 : i1 to i32
      %sign3A_12 = arith.subi %sign3A_8, %sign3A_11 : i32
      %sign3A_13 = arith.constant 0 : i32
      %sign3A_14 = arith.cmpi sgt, %jit3A, %sign3A_13 : i32
      %sign3A_15 = arith.extui %sign3A_14 : i1 to i32
      %sign3A_16 = arith.constant 0 : i32
      %sign3A_17 = arith.cmpi slt, %jit3A, %sign3A_16 : i32
      %sign3A_18 = arith.extui %sign3A_17 : i1 to i32
      %sign3A_19 = arith.subi %sign3A_15, %sign3A_18 : i32
      %ne3A = arith.cmpi ne, %sign3A_12, %sign3A_19 : i32
      %rem3A = arith.remsi %add3A, %jit3A : i32
      %ne3A_20 = arith.constant 0 : i32
      %ne3A_21 = arith.cmpi ne, %rem3A, %ne3A_20 : i32
      %and3A = arith.andi %ne3A, %ne3A_21 : i1
      %sub3A = arith.constant 1 : i32
      %sub3A_22 = arith.subi %div3A, %sub3A : i32
      %select_n3A = arith.select %and3A, %sub3A_22, %div3A : i32
      %jit3A_23 = arith.constant 8 : i32
      %eq3A = arith.constant 0 : i32
      %eq3A_24 = arith.cmpi eq, %jit3A_23, %eq3A : i32
      %jit3A_25 = arith.constant 1 : i32
      %select_n3A_26 = arith.select %eq3A_24, %jit3A_25, %jit3A_23 : i32
      %rem3A_27 = arith.remsi %add3A, %select_n3A_26 : i32
      %ne3A_28 = arith.constant 0 : i32
      %ne3A_29 = arith.cmpi ne, %rem3A_27, %ne3A_28 : i32
      %lt3A_30 = arith.constant 0 : i32
      %lt3A_31 = arith.cmpi slt, %rem3A_27, %lt3A_30 : i32
      %lt3A_32 = arith.constant 0 : i32
      %lt3A_33 = arith.cmpi slt, %select_n3A_26, %lt3A_32 : i32
      %ne3A_34 = arith.xori %lt3A_31, %lt3A_33 : i1
      %and3A_35 = arith.andi %ne3A_34, %ne3A_29 : i1
      %add3A_36 = arith.addi %rem3A_27, %select_n3A_26 : i32
      %select_n3A_37 = arith.select %and3A_35, %add3A_36, %rem3A_27 : i32
      %mul3A_38 = arith.constant 8320 : i32
      %mul3A_39 = arith.muli %select_n3A, %mul3A_38 : i32
      %multiple_of3A = tpu.assume_multiple %mul3A_39, 128 : i32
      %dma_start3A = arith.constant 0 : i32
      %dma_start3A_40 = tpu.memref_slice %arg2[%dma_start3A, %multiple_of3A] : memref<8x24960xf32, #tpu.memory_space<hbm>> -> memref<8x8320xf32, #tpu.memory_space<hbm>>
      %dma_start3A_41 = arith.constant 0 : i32
      %dma_start3A_42 = tpu.memref_slice %arg2[%dma_start3A_41, %multiple_of3A] : memref<8x24960xf32, #tpu.memory_space<hbm>> -> memref<8x8320xf32, #tpu.memory_space<hbm>>
      tpu.enqueue_dma source(%dma_start3A_42 : memref<8x8320xf32, #tpu.memory_space<hbm>>) target(%arg7 : memref<8x8320xf32, #tpu.memory_space<vmem>>) target_semaphore(%arg10 : memref<!tpu.dma_semaphore, #tpu.memory_space<semaphore_mem>>)
      %dma_wait3A = arith.constant 0 : i32
      %dma_wait3A_43 = tpu.memref_slice %arg2[%dma_wait3A, %multiple_of3A] : memref<8x24960xf32, #tpu.memory_space<hbm>> -> memref<8x8320xf32, #tpu.memory_space<hbm>>
      %dma_wait3A_44 = arith.constant 0 : i32
      %dma_wait3A_45 = tpu.memref_slice %arg2[%dma_wait3A_44, %multiple_of3A] : memref<8x24960xf32, #tpu.memory_space<hbm>> -> memref<8x8320xf32, #tpu.memory_space<hbm>>
      tpu.wait_dma2 semaphore(%arg10 : memref<!tpu.dma_semaphore, #tpu.memory_space<semaphore_mem>>) src(%dma_wait3A_45 : memref<8x8320xf32, #tpu.memory_space<hbm>>) dst(%arg7 : memref<8x8320xf32, #tpu.memory_space<vmem>>)
      %mul3A_46 = arith.constant 2 : i32
      %mul3A_47 = arith.muli %mul3A_46, %select_n3A_37 : i32
      %add3A_48 = arith.constant 0 : i32
      %add3A_49 = arith.addi %mul3A_47, %add3A_48 : i32
      %mul3A_50 = arith.constant 8 : i32
      %mul3A_51 = arith.muli %add3A_49, %mul3A_50 : i32
      %multiple_of3A_52 = tpu.assume_multiple %mul3A_51, 8 : i32
      %dma_start3A_53 = tpu.memref_slice %arg5[%multiple_of3A_52, %multiple_of3A] : memref<128x26000xf32, #tpu.memory_space<hbm>> -> memref<8x8320xf32, #tpu.memory_space<hbm>>
      %dma_start3A_54 = tpu.memref_slice %arg5[%multiple_of3A_52, %multiple_of3A] : memref<128x26000xf32, #tpu.memory_space<hbm>> -> memref<8x8320xf32, #tpu.memory_space<hbm>>
      tpu.enqueue_dma source(%arg7 : memref<8x8320xf32, #tpu.memory_space<vmem>>) target(%dma_start3A_54 : memref<8x8320xf32, #tpu.memory_space<hbm>>) target_semaphore(%arg10 : memref<!tpu.dma_semaphore, #tpu.memory_space<semaphore_mem>>)
      %mul3A_55 = arith.constant 2 : i32
      %mul3A_56 = arith.muli %mul3A_55, %select_n3A_37 : i32
      %add3A_57 = arith.constant 1 : i32
      %add3A_58 = arith.addi %mul3A_56, %add3A_57 : i32
      %mul3A_59 = arith.constant 8 : i32
      %mul3A_60 = arith.muli %add3A_58, %mul3A_59 : i32
      %multiple_of3A_61 = tpu.assume_multiple %mul3A_60, 8 : i32
      %dma_start3A_62 = tpu.memref_slice %arg5[%multiple_of3A_61, %multiple_of3A] : memref<128x26000xf32, #tpu.memory_space<hbm>> -> memref<8x8320xf32, #tpu.memory_space<hbm>>
      %dma_start3A_63 = tpu.memref_slice %arg5[%multiple_of3A_61, %multiple_of3A] : memref<128x26000xf32, #tpu.memory_space<hbm>> -> memref<8x8320xf32, #tpu.memory_space<hbm>>
      tpu.enqueue_dma source(%arg7 : memref<8x8320xf32, #tpu.memory_space<vmem>>) target(%dma_start3A_63 : memref<8x8320xf32, #tpu.memory_space<hbm>>) target_semaphore(%arg10 : memref<!tpu.dma_semaphore, #tpu.memory_space<semaphore_mem>>)
      %dma_wait3A_64 = tpu.memref_slice %arg5[%multiple_of3A_52, %multiple_of3A] : memref<128x26000xf32, #tpu.memory_space<hbm>> -> memref<8x8320xf32, #tpu.memory_space<hbm>>
      %dma_wait3A_65 = tpu.memref_slice %arg5[%multiple_of3A_52, %multiple_of3A] : memref<128x26000xf32, #tpu.memory_space<hbm>> -> memref<8x8320xf32, #tpu.memory_space<hbm>>
      tpu.wait_dma2 semaphore(%arg10 : memref<!tpu.dma_semaphore, #tpu.memory_space<semaphore_mem>>) src(%arg7 : memref<8x8320xf32, #tpu.memory_space<vmem>>) dst(%dma_wait3A_65 : memref<8x8320xf32, #tpu.memory_space<hbm>>)
      %dma_wait3A_66 = tpu.memref_slice %arg5[%multiple_of3A_61, %multiple_of3A] : memref<128x26000xf32, #tpu.memory_space<hbm>> -> memref<8x8320xf32, #tpu.memory_space<hbm>>
      %dma_wait3A_67 = tpu.memref_slice %arg5[%multiple_of3A_61, %multiple_of3A] : memref<128x26000xf32, #tpu.memory_space<hbm>> -> memref<8x8320xf32, #tpu.memory_space<hbm>>
      tpu.wait_dma2 semaphore(%arg10 : memref<!tpu.dma_semaphore, #tpu.memory_space<semaphore_mem>>) src(%arg7 : memref<8x8320xf32, #tpu.memory_space<vmem>>) dst(%dma_wait3A_67 : memref<8x8320xf32, #tpu.memory_space<hbm>>)
    } else {
    }
    %ge3A = arith.constant 24 : i32
    %ge3A_3 = arith.cmpi sge, %add3A, %ge3A : i32
    %convert_element_type3A_4 = arith.extui %ge3A_3 : i1 to i32
    %cond3A_5 = arith.constant 0 : i32
    %cond3A_6 = arith.cmpi ne, %convert_element_type3A_4, %cond3A_5 : i32
    scf.if %cond3A_6 {
      %sub3A = arith.constant 24 : i32
      %sub3A_7 = arith.subi %add3A, %sub3A : i32
      %mul3A_8 = arith.constant 16 : i32
      %mul3A_9 = arith.muli %sub3A_7, %mul3A_8 : i32
      %multiple_of3A = tpu.assume_multiple %mul3A_9, 8 : i32
      %dma_start3A = arith.constant 0 : i32
      %dma_start3A_10 = tpu.memref_slice %arg3[%multiple_of3A, %dma_start3A] : memref<128x1040xf32, #tpu.memory_space<hbm>> -> memref<16x1040xf32, #tpu.memory_space<hbm>>
      %dma_start3A_11 = arith.constant 0 : i32
      %dma_start3A_12 = tpu.memref_slice %arg3[%multiple_of3A, %dma_start3A_11] : memref<128x1040xf32, #tpu.memory_space<hbm>> -> memref<16x1040xf32, #tpu.memory_space<hbm>>
      tpu.enqueue_dma source(%dma_start3A_12 : memref<16x1040xf32, #tpu.memory_space<hbm>>) target(%arg8 : memref<16x1040xf32, #tpu.memory_space<vmem>>) target_semaphore(%arg10 : memref<!tpu.dma_semaphore, #tpu.memory_space<semaphore_mem>>)
      tpu.enqueue_dma source(%arg4 : memref<8x5000xf32, #tpu.memory_space<hbm>>) target(%arg9 : memref<8x5000xf32, #tpu.memory_space<vmem>>) target_semaphore(%arg10 : memref<!tpu.dma_semaphore, #tpu.memory_space<semaphore_mem>>)
      %dma_wait3A = arith.constant 0 : i32
      %dma_wait3A_13 = tpu.memref_slice %arg3[%multiple_of3A, %dma_wait3A] : memref<128x1040xf32, #tpu.memory_space<hbm>> -> memref<16x1040xf32, #tpu.memory_space<hbm>>
      %dma_wait3A_14 = arith.constant 0 : i32
      %dma_wait3A_15 = tpu.memref_slice %arg3[%multiple_of3A, %dma_wait3A_14] : memref<128x1040xf32, #tpu.memory_space<hbm>> -> memref<16x1040xf32, #tpu.memory_space<hbm>>
      tpu.wait_dma2 semaphore(%arg10 : memref<!tpu.dma_semaphore, #tpu.memory_space<semaphore_mem>>) src(%dma_wait3A_15 : memref<16x1040xf32, #tpu.memory_space<hbm>>) dst(%arg8 : memref<16x1040xf32, #tpu.memory_space<vmem>>)
      tpu.wait_dma2 semaphore(%arg10 : memref<!tpu.dma_semaphore, #tpu.memory_space<semaphore_mem>>) src(%arg4 : memref<8x5000xf32, #tpu.memory_space<hbm>>) dst(%arg9 : memref<8x5000xf32, #tpu.memory_space<vmem>>)
      %dma_start3A_16 = arith.constant 24960 : i32
      %dma_start3A_17 = tpu.memref_slice %arg5[%multiple_of3A, %dma_start3A_16] : memref<128x26000xf32, #tpu.memory_space<hbm>> -> memref<16x1040xf32, #tpu.memory_space<hbm>>
      %dma_start3A_18 = arith.constant 24960 : i32
      %dma_start3A_19 = tpu.memref_slice %arg5[%multiple_of3A, %dma_start3A_18] : memref<128x26000xf32, #tpu.memory_space<hbm>> -> memref<16x1040xf32, #tpu.memory_space<hbm>>
      tpu.enqueue_dma source(%arg8 : memref<16x1040xf32, #tpu.memory_space<vmem>>) target(%dma_start3A_19 : memref<16x1040xf32, #tpu.memory_space<hbm>>) target_semaphore(%arg10 : memref<!tpu.dma_semaphore, #tpu.memory_space<semaphore_mem>>)
      %mul3A_20 = arith.constant 16 : i32
      %mul3A_21 = arith.muli %sub3A_7, %mul3A_20 : i32
      %add3A_22 = arith.constant 8 : i32
      %add3A_23 = arith.addi %mul3A_21, %add3A_22 : i32
      %multiple_of3A_24 = tpu.assume_multiple %add3A_23, 8 : i32
      %dma_start3A_25 = arith.constant 0 : i32
      %dma_start3A_26 = tpu.memref_slice %arg6[%multiple_of3A, %dma_start3A_25] : memref<128x5000xf32, #tpu.memory_space<hbm>> -> memref<8x5000xf32, #tpu.memory_space<hbm>>
      %dma_start3A_27 = arith.constant 0 : i32
      %dma_start3A_28 = tpu.memref_slice %arg6[%multiple_of3A, %dma_start3A_27] : memref<128x5000xf32, #tpu.memory_space<hbm>> -> memref<8x5000xf32, #tpu.memory_space<hbm>>
      tpu.enqueue_dma source(%arg9 : memref<8x5000xf32, #tpu.memory_space<vmem>>) target(%dma_start3A_28 : memref<8x5000xf32, #tpu.memory_space<hbm>>) target_semaphore(%arg10 : memref<!tpu.dma_semaphore, #tpu.memory_space<semaphore_mem>>)
      %dma_start3A_29 = arith.constant 0 : i32
      %dma_start3A_30 = tpu.memref_slice %arg6[%multiple_of3A_24, %dma_start3A_29] : memref<128x5000xf32, #tpu.memory_space<hbm>> -> memref<8x5000xf32, #tpu.memory_space<hbm>>
      %dma_start3A_31 = arith.constant 0 : i32
      %dma_start3A_32 = tpu.memref_slice %arg6[%multiple_of3A_24, %dma_start3A_31] : memref<128x5000xf32, #tpu.memory_space<hbm>> -> memref<8x5000xf32, #tpu.memory_space<hbm>>
      tpu.enqueue_dma source(%arg9 : memref<8x5000xf32, #tpu.memory_space<vmem>>) target(%dma_start3A_32 : memref<8x5000xf32, #tpu.memory_space<hbm>>) target_semaphore(%arg10 : memref<!tpu.dma_semaphore, #tpu.memory_space<semaphore_mem>>)
      %dma_wait3A_33 = arith.constant 24960 : i32
      %dma_wait3A_34 = tpu.memref_slice %arg5[%multiple_of3A, %dma_wait3A_33] : memref<128x26000xf32, #tpu.memory_space<hbm>> -> memref<16x1040xf32, #tpu.memory_space<hbm>>
      %dma_wait3A_35 = arith.constant 24960 : i32
      %dma_wait3A_36 = tpu.memref_slice %arg5[%multiple_of3A, %dma_wait3A_35] : memref<128x26000xf32, #tpu.memory_space<hbm>> -> memref<16x1040xf32, #tpu.memory_space<hbm>>
      tpu.wait_dma2 semaphore(%arg10 : memref<!tpu.dma_semaphore, #tpu.memory_space<semaphore_mem>>) src(%arg8 : memref<16x1040xf32, #tpu.memory_space<vmem>>) dst(%dma_wait3A_36 : memref<16x1040xf32, #tpu.memory_space<hbm>>)
      %dma_wait3A_37 = arith.constant 0 : i32
      %dma_wait3A_38 = tpu.memref_slice %arg6[%multiple_of3A, %dma_wait3A_37] : memref<128x5000xf32, #tpu.memory_space<hbm>> -> memref<8x5000xf32, #tpu.memory_space<hbm>>
      %dma_wait3A_39 = arith.constant 0 : i32
      %dma_wait3A_40 = tpu.memref_slice %arg6[%multiple_of3A, %dma_wait3A_39] : memref<128x5000xf32, #tpu.memory_space<hbm>> -> memref<8x5000xf32, #tpu.memory_space<hbm>>
      tpu.wait_dma2 semaphore(%arg10 : memref<!tpu.dma_semaphore, #tpu.memory_space<semaphore_mem>>) src(%arg9 : memref<8x5000xf32, #tpu.memory_space<vmem>>) dst(%dma_wait3A_40 : memref<8x5000xf32, #tpu.memory_space<hbm>>)
      %dma_wait3A_41 = arith.constant 0 : i32
      %dma_wait3A_42 = tpu.memref_slice %arg6[%multiple_of3A_24, %dma_wait3A_41] : memref<128x5000xf32, #tpu.memory_space<hbm>> -> memref<8x5000xf32, #tpu.memory_space<hbm>>
      %dma_wait3A_43 = arith.constant 0 : i32
      %dma_wait3A_44 = tpu.memref_slice %arg6[%multiple_of3A_24, %dma_wait3A_43] : memref<128x5000xf32, #tpu.memory_space<hbm>> -> memref<8x5000xf32, #tpu.memory_space<hbm>>
      tpu.wait_dma2 semaphore(%arg10 : memref<!tpu.dma_semaphore, #tpu.memory_space<semaphore_mem>>) src(%arg9 : memref<8x5000xf32, #tpu.memory_space<vmem>>) dst(%dma_wait3A_44 : memref<8x5000xf32, #tpu.memory_space<hbm>>)
    } else {
    }
    return
  }
}

module attributes {stable_mosaic.version = 14 : i64} {
  func.func @_tc_body2(%arg0: memref<128x1000xf32, #tpu.memory_space<vmem>>, %arg1: memref<10x1000xf32, #tpu.memory_space<vmem>>, %arg2: memref<128x5xi32, #tpu.memory_space<vmem>>, %arg3: memref<10x1000xf32, #tpu.memory_space<vmem>>, %arg4: memref<128x1000xf32, #tpu.memory_space<vmem>>, %arg5: memref<128x10xf32, #tpu.memory_space<vmem>>, %arg6: memref<1x1xf32, #tpu.memory_space<vmem>>) attributes {dimension_semantics = [], scalar_prefetch = 0 : i64, scratch_operands = 0 : i64, tpu.core_type = #tpu.core_type<tc>} {
    %get3A = arith.constant 0 : index
    %get3A_0 = arith.constant 0 : index
    %get3A_1 = vector.load %arg0[%get3A, %get3A_0] : memref<128x1000xf32, #tpu.memory_space<vmem>>, vector<128x1000xf32>
    %get3A_2 = arith.constant 0 : index
    %get3A_3 = arith.constant 0 : index
    %get3A_4 = vector.load %arg1[%get3A_2, %get3A_3] : memref<10x1000xf32, #tpu.memory_space<vmem>>, vector<10x1000xf32>
    %mul3A = arith.mulf %get3A_4, %get3A_4 : vector<10x1000xf32>
    %reduce_sum3A = arith.constant dense<0.000000e+00> : vector<10xf32>
    %reduce_sum3A_5 = vector.multi_reduction <add>, %mul3A, %reduce_sum3A [1] : vector<10x1000xf32> to vector<10xf32>
    %broadcast_in_dim3A = vector.shape_cast %reduce_sum3A_5 : vector<10xf32> to vector<10x1xf32>
    %max3A = arith.constant 9.99999996E-13 : f32
    %max3A_6 = vector.broadcast %max3A : f32 to vector<10x1xf32>
    %max3A_7 = arith.maximumf %broadcast_in_dim3A, %max3A_6 : vector<10x1xf32>
    %rsqrt3A = math.rsqrt %max3A_7 : vector<10x1xf32>
    %mul3A_8 = vector.broadcast %rsqrt3A : vector<10x1xf32> to vector<10x1000xf32>
    %mul3A_9 = arith.mulf %get3A_4, %mul3A_8 : vector<10x1000xf32>
    %mul3A_10 = arith.mulf %get3A_1, %get3A_1 : vector<128x1000xf32>
    %reduce_sum3A_11 = arith.constant dense<0.000000e+00> : vector<128xf32>
    %reduce_sum3A_12 = vector.multi_reduction <add>, %mul3A_10, %reduce_sum3A_11 [1] : vector<128x1000xf32> to vector<128xf32>
    %broadcast_in_dim3A_13 = vector.shape_cast %reduce_sum3A_12 : vector<128xf32> to vector<128x1xf32>
    %max3A_14 = arith.constant 9.99999996E-13 : f32
    %max3A_15 = vector.broadcast %max3A_14 : f32 to vector<128x1xf32>
    %max3A_16 = arith.maximumf %broadcast_in_dim3A_13, %max3A_15 : vector<128x1xf32>
    %rsqrt3A_17 = math.rsqrt %max3A_16 : vector<128x1xf32>
    %mul3A_18 = vector.broadcast %rsqrt3A_17 : vector<128x1xf32> to vector<128x1000xf32>
    %mul3A_19 = arith.mulf %get3A_1, %mul3A_18 : vector<128x1000xf32>
    %dot_general3A = arith.constant dense<0.000000e+00> : vector<128x10xf32>
    %dot_general3A_20 = tpu.matmul %mul3A_19, %mul3A_9, %dot_general3A {dimension_numbers = #tpu.dot_dimension_numbers<[1], [1], [0], [0], [0, 0, 1, 0], [], []>, transpose_lhs_hint = false} : vector<128x1000xf32>, vector<10x1000xf32>, vector<128x10xf32> -> vector<128x10xf32>
    %iota3A = tpu.iota {dimensions = array<i32: 1>} : vector<1x10xi32>
    %broadcast_in_dim3A_21 = arith.constant 0 : i32
    %broadcast_in_dim3A_22 = vector.broadcast %broadcast_in_dim3A_21 : i32 to vector<128x10xi32>
    %slice3A = vector.extract_strided_slice %dot_general3A_20 {offsets = [0, 0], sizes = [128, 1], strides = [1, 1]} : vector<128x10xf32> to vector<128x1xf32>
    %gt3A = vector.broadcast %slice3A : vector<128x1xf32> to vector<128x10xf32>
    %gt3A_23 = arith.cmpf ogt, %gt3A, %dot_general3A_20 : vector<128x10xf32>
    %convert_element_type3A = arith.extui %gt3A_23 : vector<128x10xi1> to vector<128x10xi32>
    %eq3A = vector.broadcast %slice3A : vector<128x1xf32> to vector<128x10xf32>
    %eq3A_24 = arith.cmpf oeq, %eq3A, %dot_general3A_20 : vector<128x10xf32>
    %convert_element_type3A_25 = arith.extui %eq3A_24 : vector<128x10xi1> to vector<128x10xi32>
    %gt3A_26 = arith.constant 0 : i32
    %gt3A_27 = vector.broadcast %gt3A_26 : i32 to vector<1x10xi32>
    %gt3A_28 = arith.cmpi sgt, %iota3A, %gt3A_27 : vector<1x10xi32>
    %convert_element_type3A_29 = arith.extui %gt3A_28 : vector<1x10xi1> to vector<1x10xi32>
    %mul3A_30 = vector.broadcast %convert_element_type3A_29 : vector<1x10xi32> to vector<128x10xi32>
    %mul3A_31 = arith.muli %convert_element_type3A_25, %mul3A_30 : vector<128x10xi32>
    %add3A = arith.addi %broadcast_in_dim3A_22, %convert_element_type3A : vector<128x10xi32>
    %add3A_32 = arith.addi %add3A, %mul3A_31 : vector<128x10xi32>
    %slice3A_33 = vector.extract_strided_slice %dot_general3A_20 {offsets = [0, 1], sizes = [128, 1], strides = [1, 1]} : vector<128x10xf32> to vector<128x1xf32>
    %gt3A_34 = vector.broadcast %slice3A_33 : vector<128x1xf32> to vector<128x10xf32>
    %gt3A_35 = arith.cmpf ogt, %gt3A_34, %dot_general3A_20 : vector<128x10xf32>
    %convert_element_type3A_36 = arith.extui %gt3A_35 : vector<128x10xi1> to vector<128x10xi32>
    %eq3A_37 = vector.broadcast %slice3A_33 : vector<128x1xf32> to vector<128x10xf32>
    %eq3A_38 = arith.cmpf oeq, %eq3A_37, %dot_general3A_20 : vector<128x10xf32>
    %convert_element_type3A_39 = arith.extui %eq3A_38 : vector<128x10xi1> to vector<128x10xi32>
    %gt3A_40 = arith.constant 1 : i32
    %gt3A_41 = vector.broadcast %gt3A_40 : i32 to vector<1x10xi32>
    %gt3A_42 = arith.cmpi sgt, %iota3A, %gt3A_41 : vector<1x10xi32>
    %convert_element_type3A_43 = arith.extui %gt3A_42 : vector<1x10xi1> to vector<1x10xi32>
    %mul3A_44 = vector.broadcast %convert_element_type3A_43 : vector<1x10xi32> to vector<128x10xi32>
    %mul3A_45 = arith.muli %convert_element_type3A_39, %mul3A_44 : vector<128x10xi32>
    %add3A_46 = arith.addi %add3A_32, %convert_element_type3A_36 : vector<128x10xi32>
    %add3A_47 = arith.addi %add3A_46, %mul3A_45 : vector<128x10xi32>
    %slice3A_48 = vector.extract_strided_slice %dot_general3A_20 {offsets = [0, 2], sizes = [128, 1], strides = [1, 1]} : vector<128x10xf32> to vector<128x1xf32>
    %gt3A_49 = vector.broadcast %slice3A_48 : vector<128x1xf32> to vector<128x10xf32>
    %gt3A_50 = arith.cmpf ogt, %gt3A_49, %dot_general3A_20 : vector<128x10xf32>
    %convert_element_type3A_51 = arith.extui %gt3A_50 : vector<128x10xi1> to vector<128x10xi32>
    %eq3A_52 = vector.broadcast %slice3A_48 : vector<128x1xf32> to vector<128x10xf32>
    %eq3A_53 = arith.cmpf oeq, %eq3A_52, %dot_general3A_20 : vector<128x10xf32>
    %convert_element_type3A_54 = arith.extui %eq3A_53 : vector<128x10xi1> to vector<128x10xi32>
    %gt3A_55 = arith.constant 2 : i32
    %gt3A_56 = vector.broadcast %gt3A_55 : i32 to vector<1x10xi32>
    %gt3A_57 = arith.cmpi sgt, %iota3A, %gt3A_56 : vector<1x10xi32>
    %convert_element_type3A_58 = arith.extui %gt3A_57 : vector<1x10xi1> to vector<1x10xi32>
    %mul3A_59 = vector.broadcast %convert_element_type3A_58 : vector<1x10xi32> to vector<128x10xi32>
    %mul3A_60 = arith.muli %convert_element_type3A_54, %mul3A_59 : vector<128x10xi32>
    %add3A_61 = arith.addi %add3A_47, %convert_element_type3A_51 : vector<128x10xi32>
    %add3A_62 = arith.addi %add3A_61, %mul3A_60 : vector<128x10xi32>
    %slice3A_63 = vector.extract_strided_slice %dot_general3A_20 {offsets = [0, 3], sizes = [128, 1], strides = [1, 1]} : vector<128x10xf32> to vector<128x1xf32>
    %gt3A_64 = vector.broadcast %slice3A_63 : vector<128x1xf32> to vector<128x10xf32>
    %gt3A_65 = arith.cmpf ogt, %gt3A_64, %dot_general3A_20 : vector<128x10xf32>
    %convert_element_type3A_66 = arith.extui %gt3A_65 : vector<128x10xi1> to vector<128x10xi32>
    %eq3A_67 = vector.broadcast %slice3A_63 : vector<128x1xf32> to vector<128x10xf32>
    %eq3A_68 = arith.cmpf oeq, %eq3A_67, %dot_general3A_20 : vector<128x10xf32>
    %convert_element_type3A_69 = arith.extui %eq3A_68 : vector<128x10xi1> to vector<128x10xi32>
    %gt3A_70 = arith.constant 3 : i32
    %gt3A_71 = vector.broadcast %gt3A_70 : i32 to vector<1x10xi32>
    %gt3A_72 = arith.cmpi sgt, %iota3A, %gt3A_71 : vector<1x10xi32>
    %convert_element_type3A_73 = arith.extui %gt3A_72 : vector<1x10xi1> to vector<1x10xi32>
    %mul3A_74 = vector.broadcast %convert_element_type3A_73 : vector<1x10xi32> to vector<128x10xi32>
    %mul3A_75 = arith.muli %convert_element_type3A_69, %mul3A_74 : vector<128x10xi32>
    %add3A_76 = arith.addi %add3A_62, %convert_element_type3A_66 : vector<128x10xi32>
    %add3A_77 = arith.addi %add3A_76, %mul3A_75 : vector<128x10xi32>
    %slice3A_78 = vector.extract_strided_slice %dot_general3A_20 {offsets = [0, 4], sizes = [128, 1], strides = [1, 1]} : vector<128x10xf32> to vector<128x1xf32>
    %gt3A_79 = vector.broadcast %slice3A_78 : vector<128x1xf32> to vector<128x10xf32>
    %gt3A_80 = arith.cmpf ogt, %gt3A_79, %dot_general3A_20 : vector<128x10xf32>
    %convert_element_type3A_81 = arith.extui %gt3A_80 : vector<128x10xi1> to vector<128x10xi32>
    %eq3A_82 = vector.broadcast %slice3A_78 : vector<128x1xf32> to vector<128x10xf32>
    %eq3A_83 = arith.cmpf oeq, %eq3A_82, %dot_general3A_20 : vector<128x10xf32>
    %convert_element_type3A_84 = arith.extui %eq3A_83 : vector<128x10xi1> to vector<128x10xi32>
    %gt3A_85 = arith.constant 4 : i32
    %gt3A_86 = vector.broadcast %gt3A_85 : i32 to vector<1x10xi32>
    %gt3A_87 = arith.cmpi sgt, %iota3A, %gt3A_86 : vector<1x10xi32>
    %convert_element_type3A_88 = arith.extui %gt3A_87 : vector<1x10xi1> to vector<1x10xi32>
    %mul3A_89 = vector.broadcast %convert_element_type3A_88 : vector<1x10xi32> to vector<128x10xi32>
    %mul3A_90 = arith.muli %convert_element_type3A_84, %mul3A_89 : vector<128x10xi32>
    %add3A_91 = arith.addi %add3A_77, %convert_element_type3A_81 : vector<128x10xi32>
    %add3A_92 = arith.addi %add3A_91, %mul3A_90 : vector<128x10xi32>
    %slice3A_93 = vector.extract_strided_slice %dot_general3A_20 {offsets = [0, 5], sizes = [128, 1], strides = [1, 1]} : vector<128x10xf32> to vector<128x1xf32>
    %gt3A_94 = vector.broadcast %slice3A_93 : vector<128x1xf32> to vector<128x10xf32>
    %gt3A_95 = arith.cmpf ogt, %gt3A_94, %dot_general3A_20 : vector<128x10xf32>
    %convert_element_type3A_96 = arith.extui %gt3A_95 : vector<128x10xi1> to vector<128x10xi32>
    %eq3A_97 = vector.broadcast %slice3A_93 : vector<128x1xf32> to vector<128x10xf32>
    %eq3A_98 = arith.cmpf oeq, %eq3A_97, %dot_general3A_20 : vector<128x10xf32>
    %convert_element_type3A_99 = arith.extui %eq3A_98 : vector<128x10xi1> to vector<128x10xi32>
    %gt3A_100 = arith.constant 5 : i32
    %gt3A_101 = vector.broadcast %gt3A_100 : i32 to vector<1x10xi32>
    %gt3A_102 = arith.cmpi sgt, %iota3A, %gt3A_101 : vector<1x10xi32>
    %convert_element_type3A_103 = arith.extui %gt3A_102 : vector<1x10xi1> to vector<1x10xi32>
    %mul3A_104 = vector.broadcast %convert_element_type3A_103 : vector<1x10xi32> to vector<128x10xi32>
    %mul3A_105 = arith.muli %convert_element_type3A_99, %mul3A_104 : vector<128x10xi32>
    %add3A_106 = arith.addi %add3A_92, %convert_element_type3A_96 : vector<128x10xi32>
    %add3A_107 = arith.addi %add3A_106, %mul3A_105 : vector<128x10xi32>
    %slice3A_108 = vector.extract_strided_slice %dot_general3A_20 {offsets = [0, 6], sizes = [128, 1], strides = [1, 1]} : vector<128x10xf32> to vector<128x1xf32>
    %gt3A_109 = vector.broadcast %slice3A_108 : vector<128x1xf32> to vector<128x10xf32>
    %gt3A_110 = arith.cmpf ogt, %gt3A_109, %dot_general3A_20 : vector<128x10xf32>
    %convert_element_type3A_111 = arith.extui %gt3A_110 : vector<128x10xi1> to vector<128x10xi32>
    %eq3A_112 = vector.broadcast %slice3A_108 : vector<128x1xf32> to vector<128x10xf32>
    %eq3A_113 = arith.cmpf oeq, %eq3A_112, %dot_general3A_20 : vector<128x10xf32>
    %convert_element_type3A_114 = arith.extui %eq3A_113 : vector<128x10xi1> to vector<128x10xi32>
    %gt3A_115 = arith.constant 6 : i32
    %gt3A_116 = vector.broadcast %gt3A_115 : i32 to vector<1x10xi32>
    %gt3A_117 = arith.cmpi sgt, %iota3A, %gt3A_116 : vector<1x10xi32>
    %convert_element_type3A_118 = arith.extui %gt3A_117 : vector<1x10xi1> to vector<1x10xi32>
    %mul3A_119 = vector.broadcast %convert_element_type3A_118 : vector<1x10xi32> to vector<128x10xi32>
    %mul3A_120 = arith.muli %convert_element_type3A_114, %mul3A_119 : vector<128x10xi32>
    %add3A_121 = arith.addi %add3A_107, %convert_element_type3A_111 : vector<128x10xi32>
    %add3A_122 = arith.addi %add3A_121, %mul3A_120 : vector<128x10xi32>
    %slice3A_123 = vector.extract_strided_slice %dot_general3A_20 {offsets = [0, 7], sizes = [128, 1], strides = [1, 1]} : vector<128x10xf32> to vector<128x1xf32>
    %gt3A_124 = vector.broadcast %slice3A_123 : vector<128x1xf32> to vector<128x10xf32>
    %gt3A_125 = arith.cmpf ogt, %gt3A_124, %dot_general3A_20 : vector<128x10xf32>
    %convert_element_type3A_126 = arith.extui %gt3A_125 : vector<128x10xi1> to vector<128x10xi32>
    %eq3A_127 = vector.broadcast %slice3A_123 : vector<128x1xf32> to vector<128x10xf32>
    %eq3A_128 = arith.cmpf oeq, %eq3A_127, %dot_general3A_20 : vector<128x10xf32>
    %convert_element_type3A_129 = arith.extui %eq3A_128 : vector<128x10xi1> to vector<128x10xi32>
    %gt3A_130 = arith.constant 7 : i32
    %gt3A_131 = vector.broadcast %gt3A_130 : i32 to vector<1x10xi32>
    %gt3A_132 = arith.cmpi sgt, %iota3A, %gt3A_131 : vector<1x10xi32>
    %convert_element_type3A_133 = arith.extui %gt3A_132 : vector<1x10xi1> to vector<1x10xi32>
    %mul3A_134 = vector.broadcast %convert_element_type3A_133 : vector<1x10xi32> to vector<128x10xi32>
    %mul3A_135 = arith.muli %convert_element_type3A_129, %mul3A_134 : vector<128x10xi32>
    %add3A_136 = arith.addi %add3A_122, %convert_element_type3A_126 : vector<128x10xi32>
    %add3A_137 = arith.addi %add3A_136, %mul3A_135 : vector<128x10xi32>
    %slice3A_138 = vector.extract_strided_slice %dot_general3A_20 {offsets = [0, 8], sizes = [128, 1], strides = [1, 1]} : vector<128x10xf32> to vector<128x1xf32>
    %gt3A_139 = vector.broadcast %slice3A_138 : vector<128x1xf32> to vector<128x10xf32>
    %gt3A_140 = arith.cmpf ogt, %gt3A_139, %dot_general3A_20 : vector<128x10xf32>
    %convert_element_type3A_141 = arith.extui %gt3A_140 : vector<128x10xi1> to vector<128x10xi32>
    %eq3A_142 = vector.broadcast %slice3A_138 : vector<128x1xf32> to vector<128x10xf32>
    %eq3A_143 = arith.cmpf oeq, %eq3A_142, %dot_general3A_20 : vector<128x10xf32>
    %convert_element_type3A_144 = arith.extui %eq3A_143 : vector<128x10xi1> to vector<128x10xi32>
    %gt3A_145 = arith.constant 8 : i32
    %gt3A_146 = vector.broadcast %gt3A_145 : i32 to vector<1x10xi32>
    %gt3A_147 = arith.cmpi sgt, %iota3A, %gt3A_146 : vector<1x10xi32>
    %convert_element_type3A_148 = arith.extui %gt3A_147 : vector<1x10xi1> to vector<1x10xi32>
    %mul3A_149 = vector.broadcast %convert_element_type3A_148 : vector<1x10xi32> to vector<128x10xi32>
    %mul3A_150 = arith.muli %convert_element_type3A_144, %mul3A_149 : vector<128x10xi32>
    %add3A_151 = arith.addi %add3A_137, %convert_element_type3A_141 : vector<128x10xi32>
    %add3A_152 = arith.addi %add3A_151, %mul3A_150 : vector<128x10xi32>
    %slice3A_153 = vector.extract_strided_slice %dot_general3A_20 {offsets = [0, 9], sizes = [128, 1], strides = [1, 1]} : vector<128x10xf32> to vector<128x1xf32>
    %gt3A_154 = vector.broadcast %slice3A_153 : vector<128x1xf32> to vector<128x10xf32>
    %gt3A_155 = arith.cmpf ogt, %gt3A_154, %dot_general3A_20 : vector<128x10xf32>
    %convert_element_type3A_156 = arith.extui %gt3A_155 : vector<128x10xi1> to vector<128x10xi32>
    %eq3A_157 = vector.broadcast %slice3A_153 : vector<128x1xf32> to vector<128x10xf32>
    %eq3A_158 = arith.cmpf oeq, %eq3A_157, %dot_general3A_20 : vector<128x10xf32>
    %convert_element_type3A_159 = arith.extui %eq3A_158 : vector<128x10xi1> to vector<128x10xi32>
    %gt3A_160 = arith.constant 9 : i32
    %gt3A_161 = vector.broadcast %gt3A_160 : i32 to vector<1x10xi32>
    %gt3A_162 = arith.cmpi sgt, %iota3A, %gt3A_161 : vector<1x10xi32>
    %convert_element_type3A_163 = arith.extui %gt3A_162 : vector<1x10xi1> to vector<1x10xi32>
    %mul3A_164 = vector.broadcast %convert_element_type3A_163 : vector<1x10xi32> to vector<128x10xi32>
    %mul3A_165 = arith.muli %convert_element_type3A_159, %mul3A_164 : vector<128x10xi32>
    %add3A_166 = arith.addi %add3A_152, %convert_element_type3A_156 : vector<128x10xi32>
    %add3A_167 = arith.addi %add3A_166, %mul3A_165 : vector<128x10xi32>
    %lt3A = arith.constant 5 : i32
    %lt3A_168 = vector.broadcast %lt3A : i32 to vector<128x10xi32>
    %lt3A_169 = arith.cmpi slt, %add3A_167, %lt3A_168 : vector<128x10xi32>
    %convert_element_type3A_170 = arith.extui %lt3A_169 : vector<128x10xi1> to vector<128x10xi32>
    %reduce_sum3A_171 = arith.constant dense<0> : vector<10xi32>
    %reduce_sum3A_172 = vector.multi_reduction <add>, %convert_element_type3A_170, %reduce_sum3A_171 [0] : vector<128x10xi32> to vector<10xi32>
    %broadcast_in_dim3A_173 = vector.shape_cast %reduce_sum3A_172 : vector<10xi32> to vector<1x10xi32>
    %broadcast_in_dim3A_174 = arith.constant 0 : i32
    %broadcast_in_dim3A_175 = vector.broadcast %broadcast_in_dim3A_174 : i32 to vector<1x10xi32>
    %slice3A_176 = vector.extract_strided_slice %broadcast_in_dim3A_173 {offsets = [0, 0], sizes = [1, 1], strides = [1, 1]} : vector<1x10xi32> to vector<1x1xi32>
    %gt3A_177 = vector.broadcast %slice3A_176 : vector<1x1xi32> to vector<1x10xi32>
    %gt3A_178 = arith.cmpi sgt, %gt3A_177, %broadcast_in_dim3A_173 : vector<1x10xi32>
    %convert_element_type3A_179 = arith.extui %gt3A_178 : vector<1x10xi1> to vector<1x10xi32>
    %eq3A_180 = vector.broadcast %slice3A_176 : vector<1x1xi32> to vector<1x10xi32>
    %eq3A_181 = arith.cmpi eq, %eq3A_180, %broadcast_in_dim3A_173 : vector<1x10xi32>
    %convert_element_type3A_182 = arith.extui %eq3A_181 : vector<1x10xi1> to vector<1x10xi32>
    %gt3A_183 = arith.constant 0 : i32
    %gt3A_184 = vector.broadcast %gt3A_183 : i32 to vector<1x10xi32>
    %gt3A_185 = arith.cmpi sgt, %iota3A, %gt3A_184 : vector<1x10xi32>
    %convert_element_type3A_186 = arith.extui %gt3A_185 : vector<1x10xi1> to vector<1x10xi32>
    %mul3A_187 = arith.muli %convert_element_type3A_182, %convert_element_type3A_186 : vector<1x10xi32>
    %add3A_188 = arith.addi %broadcast_in_dim3A_175, %convert_element_type3A_179 : vector<1x10xi32>
    %add3A_189 = arith.addi %add3A_188, %mul3A_187 : vector<1x10xi32>
    %slice3A_190 = vector.extract_strided_slice %broadcast_in_dim3A_173 {offsets = [0, 1], sizes = [1, 1], strides = [1, 1]} : vector<1x10xi32> to vector<1x1xi32>
    %gt3A_191 = vector.broadcast %slice3A_190 : vector<1x1xi32> to vector<1x10xi32>
    %gt3A_192 = arith.cmpi sgt, %gt3A_191, %broadcast_in_dim3A_173 : vector<1x10xi32>
    %convert_element_type3A_193 = arith.extui %gt3A_192 : vector<1x10xi1> to vector<1x10xi32>
    %eq3A_194 = vector.broadcast %slice3A_190 : vector<1x1xi32> to vector<1x10xi32>
    %eq3A_195 = arith.cmpi eq, %eq3A_194, %broadcast_in_dim3A_173 : vector<1x10xi32>
    %convert_element_type3A_196 = arith.extui %eq3A_195 : vector<1x10xi1> to vector<1x10xi32>
    %gt3A_197 = arith.constant 1 : i32
    %gt3A_198 = vector.broadcast %gt3A_197 : i32 to vector<1x10xi32>
    %gt3A_199 = arith.cmpi sgt, %iota3A, %gt3A_198 : vector<1x10xi32>
    %convert_element_type3A_200 = arith.extui %gt3A_199 : vector<1x10xi1> to vector<1x10xi32>
    %mul3A_201 = arith.muli %convert_element_type3A_196, %convert_element_type3A_200 : vector<1x10xi32>
    %add3A_202 = arith.addi %add3A_189, %convert_element_type3A_193 : vector<1x10xi32>
    %add3A_203 = arith.addi %add3A_202, %mul3A_201 : vector<1x10xi32>
    %slice3A_204 = vector.extract_strided_slice %broadcast_in_dim3A_173 {offsets = [0, 2], sizes = [1, 1], strides = [1, 1]} : vector<1x10xi32> to vector<1x1xi32>
    %gt3A_205 = vector.broadcast %slice3A_204 : vector<1x1xi32> to vector<1x10xi32>
    %gt3A_206 = arith.cmpi sgt, %gt3A_205, %broadcast_in_dim3A_173 : vector<1x10xi32>
    %convert_element_type3A_207 = arith.extui %gt3A_206 : vector<1x10xi1> to vector<1x10xi32>
    %eq3A_208 = vector.broadcast %slice3A_204 : vector<1x1xi32> to vector<1x10xi32>
    %eq3A_209 = arith.cmpi eq, %eq3A_208, %broadcast_in_dim3A_173 : vector<1x10xi32>
    %convert_element_type3A_210 = arith.extui %eq3A_209 : vector<1x10xi1> to vector<1x10xi32>
    %gt3A_211 = arith.constant 2 : i32
    %gt3A_212 = vector.broadcast %gt3A_211 : i32 to vector<1x10xi32>
    %gt3A_213 = arith.cmpi sgt, %iota3A, %gt3A_212 : vector<1x10xi32>
    %convert_element_type3A_214 = arith.extui %gt3A_213 : vector<1x10xi1> to vector<1x10xi32>
    %mul3A_215 = arith.muli %convert_element_type3A_210, %convert_element_type3A_214 : vector<1x10xi32>
    %add3A_216 = arith.addi %add3A_203, %convert_element_type3A_207 : vector<1x10xi32>
    %add3A_217 = arith.addi %add3A_216, %mul3A_215 : vector<1x10xi32>
    %slice3A_218 = vector.extract_strided_slice %broadcast_in_dim3A_173 {offsets = [0, 3], sizes = [1, 1], strides = [1, 1]} : vector<1x10xi32> to vector<1x1xi32>
    %gt3A_219 = vector.broadcast %slice3A_218 : vector<1x1xi32> to vector<1x10xi32>
    %gt3A_220 = arith.cmpi sgt, %gt3A_219, %broadcast_in_dim3A_173 : vector<1x10xi32>
    %convert_element_type3A_221 = arith.extui %gt3A_220 : vector<1x10xi1> to vector<1x10xi32>
    %eq3A_222 = vector.broadcast %slice3A_218 : vector<1x1xi32> to vector<1x10xi32>
    %eq3A_223 = arith.cmpi eq, %eq3A_222, %broadcast_in_dim3A_173 : vector<1x10xi32>
    %convert_element_type3A_224 = arith.extui %eq3A_223 : vector<1x10xi1> to vector<1x10xi32>
    %gt3A_225 = arith.constant 3 : i32
    %gt3A_226 = vector.broadcast %gt3A_225 : i32 to vector<1x10xi32>
    %gt3A_227 = arith.cmpi sgt, %iota3A, %gt3A_226 : vector<1x10xi32>
    %convert_element_type3A_228 = arith.extui %gt3A_227 : vector<1x10xi1> to vector<1x10xi32>
    %mul3A_229 = arith.muli %convert_element_type3A_224, %convert_element_type3A_228 : vector<1x10xi32>
    %add3A_230 = arith.addi %add3A_217, %convert_element_type3A_221 : vector<1x10xi32>
    %add3A_231 = arith.addi %add3A_230, %mul3A_229 : vector<1x10xi32>
    %slice3A_232 = vector.extract_strided_slice %broadcast_in_dim3A_173 {offsets = [0, 4], sizes = [1, 1], strides = [1, 1]} : vector<1x10xi32> to vector<1x1xi32>
    %gt3A_233 = vector.broadcast %slice3A_232 : vector<1x1xi32> to vector<1x10xi32>
    %gt3A_234 = arith.cmpi sgt, %gt3A_233, %broadcast_in_dim3A_173 : vector<1x10xi32>
    %convert_element_type3A_235 = arith.extui %gt3A_234 : vector<1x10xi1> to vector<1x10xi32>
    %eq3A_236 = vector.broadcast %slice3A_232 : vector<1x1xi32> to vector<1x10xi32>
    %eq3A_237 = arith.cmpi eq, %eq3A_236, %broadcast_in_dim3A_173 : vector<1x10xi32>
    %convert_element_type3A_238 = arith.extui %eq3A_237 : vector<1x10xi1> to vector<1x10xi32>
    %gt3A_239 = arith.constant 4 : i32
    %gt3A_240 = vector.broadcast %gt3A_239 : i32 to vector<1x10xi32>
    %gt3A_241 = arith.cmpi sgt, %iota3A, %gt3A_240 : vector<1x10xi32>
    %convert_element_type3A_242 = arith.extui %gt3A_241 : vector<1x10xi1> to vector<1x10xi32>
    %mul3A_243 = arith.muli %convert_element_type3A_238, %convert_element_type3A_242 : vector<1x10xi32>
    %add3A_244 = arith.addi %add3A_231, %convert_element_type3A_235 : vector<1x10xi32>
    %add3A_245 = arith.addi %add3A_244, %mul3A_243 : vector<1x10xi32>
    %slice3A_246 = vector.extract_strided_slice %broadcast_in_dim3A_173 {offsets = [0, 5], sizes = [1, 1], strides = [1, 1]} : vector<1x10xi32> to vector<1x1xi32>
    %gt3A_247 = vector.broadcast %slice3A_246 : vector<1x1xi32> to vector<1x10xi32>
    %gt3A_248 = arith.cmpi sgt, %gt3A_247, %broadcast_in_dim3A_173 : vector<1x10xi32>
    %convert_element_type3A_249 = arith.extui %gt3A_248 : vector<1x10xi1> to vector<1x10xi32>
    %eq3A_250 = vector.broadcast %slice3A_246 : vector<1x1xi32> to vector<1x10xi32>
    %eq3A_251 = arith.cmpi eq, %eq3A_250, %broadcast_in_dim3A_173 : vector<1x10xi32>
    %convert_element_type3A_252 = arith.extui %eq3A_251 : vector<1x10xi1> to vector<1x10xi32>
    %gt3A_253 = arith.constant 5 : i32
    %gt3A_254 = vector.broadcast %gt3A_253 : i32 to vector<1x10xi32>
    %gt3A_255 = arith.cmpi sgt, %iota3A, %gt3A_254 : vector<1x10xi32>
    %convert_element_type3A_256 = arith.extui %gt3A_255 : vector<1x10xi1> to vector<1x10xi32>
    %mul3A_257 = arith.muli %convert_element_type3A_252, %convert_element_type3A_256 : vector<1x10xi32>
    %add3A_258 = arith.addi %add3A_245, %convert_element_type3A_249 : vector<1x10xi32>
    %add3A_259 = arith.addi %add3A_258, %mul3A_257 : vector<1x10xi32>
    %slice3A_260 = vector.extract_strided_slice %broadcast_in_dim3A_173 {offsets = [0, 6], sizes = [1, 1], strides = [1, 1]} : vector<1x10xi32> to vector<1x1xi32>
    %gt3A_261 = vector.broadcast %slice3A_260 : vector<1x1xi32> to vector<1x10xi32>
    %gt3A_262 = arith.cmpi sgt, %gt3A_261, %broadcast_in_dim3A_173 : vector<1x10xi32>
    %convert_element_type3A_263 = arith.extui %gt3A_262 : vector<1x10xi1> to vector<1x10xi32>
    %eq3A_264 = vector.broadcast %slice3A_260 : vector<1x1xi32> to vector<1x10xi32>
    %eq3A_265 = arith.cmpi eq, %eq3A_264, %broadcast_in_dim3A_173 : vector<1x10xi32>
    %convert_element_type3A_266 = arith.extui %eq3A_265 : vector<1x10xi1> to vector<1x10xi32>
    %gt3A_267 = arith.constant 6 : i32
    %gt3A_268 = vector.broadcast %gt3A_267 : i32 to vector<1x10xi32>
    %gt3A_269 = arith.cmpi sgt, %iota3A, %gt3A_268 : vector<1x10xi32>
    %convert_element_type3A_270 = arith.extui %gt3A_269 : vector<1x10xi1> to vector<1x10xi32>
    %mul3A_271 = arith.muli %convert_element_type3A_266, %convert_element_type3A_270 : vector<1x10xi32>
    %add3A_272 = arith.addi %add3A_259, %convert_element_type3A_263 : vector<1x10xi32>
    %add3A_273 = arith.addi %add3A_272, %mul3A_271 : vector<1x10xi32>
    %slice3A_274 = vector.extract_strided_slice %broadcast_in_dim3A_173 {offsets = [0, 7], sizes = [1, 1], strides = [1, 1]} : vector<1x10xi32> to vector<1x1xi32>
    %gt3A_275 = vector.broadcast %slice3A_274 : vector<1x1xi32> to vector<1x10xi32>
    %gt3A_276 = arith.cmpi sgt, %gt3A_275, %broadcast_in_dim3A_173 : vector<1x10xi32>
    %convert_element_type3A_277 = arith.extui %gt3A_276 : vector<1x10xi1> to vector<1x10xi32>
    %eq3A_278 = vector.broadcast %slice3A_274 : vector<1x1xi32> to vector<1x10xi32>
    %eq3A_279 = arith.cmpi eq, %eq3A_278, %broadcast_in_dim3A_173 : vector<1x10xi32>
    %convert_element_type3A_280 = arith.extui %eq3A_279 : vector<1x10xi1> to vector<1x10xi32>
    %gt3A_281 = arith.constant 7 : i32
    %gt3A_282 = vector.broadcast %gt3A_281 : i32 to vector<1x10xi32>
    %gt3A_283 = arith.cmpi sgt, %iota3A, %gt3A_282 : vector<1x10xi32>
    %convert_element_type3A_284 = arith.extui %gt3A_283 : vector<1x10xi1> to vector<1x10xi32>
    %mul3A_285 = arith.muli %convert_element_type3A_280, %convert_element_type3A_284 : vector<1x10xi32>
    %add3A_286 = arith.addi %add3A_273, %convert_element_type3A_277 : vector<1x10xi32>
    %add3A_287 = arith.addi %add3A_286, %mul3A_285 : vector<1x10xi32>
    %slice3A_288 = vector.extract_strided_slice %broadcast_in_dim3A_173 {offsets = [0, 8], sizes = [1, 1], strides = [1, 1]} : vector<1x10xi32> to vector<1x1xi32>
    %gt3A_289 = vector.broadcast %slice3A_288 : vector<1x1xi32> to vector<1x10xi32>
    %gt3A_290 = arith.cmpi sgt, %gt3A_289, %broadcast_in_dim3A_173 : vector<1x10xi32>
    %convert_element_type3A_291 = arith.extui %gt3A_290 : vector<1x10xi1> to vector<1x10xi32>
    %eq3A_292 = vector.broadcast %slice3A_288 : vector<1x1xi32> to vector<1x10xi32>
    %eq3A_293 = arith.cmpi eq, %eq3A_292, %broadcast_in_dim3A_173 : vector<1x10xi32>
    %convert_element_type3A_294 = arith.extui %eq3A_293 : vector<1x10xi1> to vector<1x10xi32>
    %gt3A_295 = arith.constant 8 : i32
    %gt3A_296 = vector.broadcast %gt3A_295 : i32 to vector<1x10xi32>
    %gt3A_297 = arith.cmpi sgt, %iota3A, %gt3A_296 : vector<1x10xi32>
    %convert_element_type3A_298 = arith.extui %gt3A_297 : vector<1x10xi1> to vector<1x10xi32>
    %mul3A_299 = arith.muli %convert_element_type3A_294, %convert_element_type3A_298 : vector<1x10xi32>
    %add3A_300 = arith.addi %add3A_287, %convert_element_type3A_291 : vector<1x10xi32>
    %add3A_301 = arith.addi %add3A_300, %mul3A_299 : vector<1x10xi32>
    %slice3A_302 = vector.extract_strided_slice %broadcast_in_dim3A_173 {offsets = [0, 9], sizes = [1, 1], strides = [1, 1]} : vector<1x10xi32> to vector<1x1xi32>
    %gt3A_303 = vector.broadcast %slice3A_302 : vector<1x1xi32> to vector<1x10xi32>
    %gt3A_304 = arith.cmpi sgt, %gt3A_303, %broadcast_in_dim3A_173 : vector<1x10xi32>
    %convert_element_type3A_305 = arith.extui %gt3A_304 : vector<1x10xi1> to vector<1x10xi32>
    %eq3A_306 = vector.broadcast %slice3A_302 : vector<1x1xi32> to vector<1x10xi32>
    %eq3A_307 = arith.cmpi eq, %eq3A_306, %broadcast_in_dim3A_173 : vector<1x10xi32>
    %convert_element_type3A_308 = arith.extui %eq3A_307 : vector<1x10xi1> to vector<1x10xi32>
    %gt3A_309 = arith.constant 9 : i32
    %gt3A_310 = vector.broadcast %gt3A_309 : i32 to vector<1x10xi32>
    %gt3A_311 = arith.cmpi sgt, %iota3A, %gt3A_310 : vector<1x10xi32>
    %convert_element_type3A_312 = arith.extui %gt3A_311 : vector<1x10xi1> to vector<1x10xi32>
    %mul3A_313 = arith.muli %convert_element_type3A_308, %convert_element_type3A_312 : vector<1x10xi32>
    %add3A_314 = arith.addi %add3A_301, %convert_element_type3A_305 : vector<1x10xi32>
    %add3A_315 = arith.addi %add3A_314, %mul3A_313 : vector<1x10xi32>
    %lt3A_316 = arith.constant 5 : i32
    %lt3A_317 = vector.broadcast %lt3A_316 : i32 to vector<1x10xi32>
    %lt3A_318 = arith.cmpi slt, %add3A_315, %lt3A_317 : vector<1x10xi32>
    %convert_element_type3A_319 = arith.extui %lt3A_318 : vector<1x10xi1> to vector<1x10xi32>
    %convert_element_type3A_320 = arith.sitofp %convert_element_type3A_319 : vector<1x10xi32> to vector<1x10xf32>
    %iota3A_321 = tpu.iota {dimensions = array<i32: 0>} : vector<10x10xi32>
    %iota3A_322 = tpu.iota {dimensions = array<i32: 1>} : vector<10x10xi32>
    %lt3A_323 = arith.cmpi slt, %iota3A_321, %iota3A_322 : vector<10x10xi32>
    %convert_element_type3A_324 = arith.extui %lt3A_323 : vector<10x10xi1> to vector<10x10xi32>
    %convert_element_type3A_325 = arith.sitofp %convert_element_type3A_324 : vector<10x10xi32> to vector<10x10xf32>
    %dot_general3A_326 = arith.constant dense<0.000000e+00> : vector<1x10xf32>
    %dot_general3A_327 = tpu.matmul %convert_element_type3A_320, %convert_element_type3A_325, %dot_general3A_326 {dimension_numbers = #tpu.dot_dimension_numbers<[1], [0], [0], [1], [0, 0, 1, 1], [], []>, precision = #tpu.contract_precision<fp32>, transpose_lhs_hint = false} : vector<1x10xf32>, vector<10x10xf32>, vector<1x10xf32> -> vector<1x10xf32>
    %iota3A_328 = tpu.iota {dimensions = array<i32: 0>} : vector<5x10xi32>
    %convert_element_type3A_329 = arith.sitofp %iota3A_328 : vector<5x10xi32> to vector<5x10xf32>
    %eq3A_330 = vector.broadcast %dot_general3A_327 : vector<1x10xf32> to vector<5x10xf32>
    %eq3A_331 = arith.cmpf oeq, %convert_element_type3A_329, %eq3A_330 : vector<5x10xf32>
    %and3A = vector.broadcast %lt3A_318 : vector<1x10xi1> to vector<5x10xi1>
    %and3A_332 = arith.andi %eq3A_331, %and3A : vector<5x10xi1>
    %convert_element_type3A_333 = arith.extui %and3A_332 : vector<5x10xi1> to vector<5x10xi32>
    %convert_element_type3A_334 = arith.sitofp %convert_element_type3A_333 : vector<5x10xi32> to vector<5x10xf32>
    %convert_element_type3A_335 = arith.sitofp %iota3A : vector<1x10xi32> to vector<1x10xf32>
    %dot_general3A_336 = arith.constant dense<0.000000e+00> : vector<1x5xf32>
    %dot_general3A_337 = tpu.matmul %convert_element_type3A_335, %convert_element_type3A_334, %dot_general3A_336 {dimension_numbers = #tpu.dot_dimension_numbers<[1], [1], [0], [0], [0, 0, 1, 0], [], []>, precision = #tpu.contract_precision<fp32>, transpose_lhs_hint = false} : vector<1x10xf32>, vector<5x10xf32>, vector<1x5xf32> -> vector<1x5xf32>
    %dot_general3A_338 = arith.constant dense<0.000000e+00> : vector<5x1000xf32>
    %dot_general3A_339 = tpu.matmul %convert_element_type3A_334, %mul3A_9, %dot_general3A_338 {dimension_numbers = #tpu.dot_dimension_numbers<[1], [0], [0], [1], [0, 0, 1, 1], [], []>, precision = #tpu.contract_precision<fp32>, transpose_lhs_hint = false} : vector<5x10xf32>, vector<10x1000xf32>, vector<5x1000xf32> -> vector<5x1000xf32>
    %convert_element_type3A_340 = arith.fptosi %dot_general3A_337 : vector<1x5xf32> to vector<1x5xi32>
    %broadcast_in_dim3A_341 = vector.shape_cast %convert_element_type3A_340 : vector<1x5xi32> to vector<1x5xi32>
    %broadcast_in_dim3A_342 = vector.broadcast %broadcast_in_dim3A_341 : vector<1x5xi32> to vector<128x5xi32>
    %swap3A = arith.constant 0 : index
    %swap3A_343 = arith.constant 0 : index
    %swap3A_344 = vector.load %arg2[%swap3A, %swap3A_343] : memref<128x5xi32, #tpu.memory_space<vmem>>, vector<128x5xi32>
    tpu.vector_store %arg2[%swap3A, %swap3A_343], %broadcast_in_dim3A_342 {strides = array<i32>} : memref<128x5xi32, #tpu.memory_space<vmem>>, vector<128x5xi32>,
    %swap3A_345 = arith.constant 0 : index
    %swap3A_346 = arith.constant 0 : index
    %swap3A_347 = vector.load %arg3[%swap3A_345, %swap3A_346] : memref<10x1000xf32, #tpu.memory_space<vmem>>, vector<10x1000xf32>
    tpu.vector_store %arg3[%swap3A_345, %swap3A_346], %mul3A_9 {strides = array<i32>} : memref<10x1000xf32, #tpu.memory_space<vmem>>, vector<10x1000xf32>,
    %swap3A_348 = arith.constant 0 : index
    %swap3A_349 = arith.constant 0 : index
    %swap3A_350 = vector.load %arg4[%swap3A_348, %swap3A_349] : memref<128x1000xf32, #tpu.memory_space<vmem>>, vector<128x1000xf32>
    tpu.vector_store %arg4[%swap3A_348, %swap3A_349], %mul3A_19 {strides = array<i32>} : memref<128x1000xf32, #tpu.memory_space<vmem>>, vector<128x1000xf32>,
    %swap3A_351 = arith.constant 0 : index
    %swap3A_352 = arith.constant 0 : index
    %swap3A_353 = vector.load %arg5[%swap3A_351, %swap3A_352] : memref<128x10xf32, #tpu.memory_space<vmem>>, vector<128x10xf32>
    tpu.vector_store %arg5[%swap3A_351, %swap3A_352], %dot_general3A_20 {strides = array<i32>} : memref<128x10xf32, #tpu.memory_space<vmem>>, vector<128x10xf32>,
    %reduce_sum3A_354 = arith.constant dense<0.000000e+00> : vector<1000xf32>
    %reduce_sum3A_355 = vector.multi_reduction <add>, %dot_general3A_339, %reduce_sum3A_354 [0] : vector<5x1000xf32> to vector<1000xf32>
    %broadcast_in_dim3A_356 = vector.shape_cast %reduce_sum3A_355 : vector<1000xf32> to vector<1x1000xf32>
    %reduce_sum3A_357 = arith.constant dense<0.000000e+00> : vector<1000xf32>
    %reduce_sum3A_358 = vector.multi_reduction <add>, %mul3A_19, %reduce_sum3A_357 [0] : vector<128x1000xf32> to vector<1000xf32>
    %broadcast_in_dim3A_359 = vector.shape_cast %reduce_sum3A_358 : vector<1000xf32> to vector<1x1000xf32>
    %mul3A_360 = arith.mulf %broadcast_in_dim3A_356, %broadcast_in_dim3A_359 : vector<1x1000xf32>
    %reduce_sum3A_361 = vector.shape_cast %mul3A_360 : vector<1x1000xf32> to vector<1x1x1000xf32>
    %reduce_sum3A_362 = arith.constant dense<0.000000e+00> : vector<1xf32>
    %reduce_sum3A_363 = vector.multi_reduction <add>, %reduce_sum3A_361, %reduce_sum3A_362 [1, 2] : vector<1x1x1000xf32> to vector<1xf32>
    %reduce_sum3A_364 = vector.shape_cast %reduce_sum3A_363 : vector<1xf32> to vector<1x1x1xf32>
    %reduce_sum3A_365 = vector.extract %reduce_sum3A_364[0, 0, 0] : f32 from vector<1x1x1xf32>
    %div3A = arith.constant 1.280000e+02 : f32
    %div3A_366 = arith.divf %reduce_sum3A_365, %div3A : f32
    %reshape3A = vector.broadcast %div3A_366 : f32 to vector<1x1xf32>
    %swap3A_367 = arith.constant 0 : index
    %swap3A_368 = arith.constant 0 : index
    %swap3A_369 = vector.load %arg6[%swap3A_367, %swap3A_368] : memref<1x1xf32, #tpu.memory_space<vmem>>, vector<1x1xf32>
    tpu.vector_store %arg6[%swap3A_367, %swap3A_368], %reshape3A {strides = array<i32>} : memref<1x1xf32, #tpu.memory_space<vmem>>, vector<1x1xf32>,
    return
  }
}

module attributes {stable_mosaic.version = 14 : i64} {
  func.func @_tc_body1(%arg0: memref<128x1000xf32, #tpu.memory_space<vmem>>, %arg1: memref<10x5000xf32, #tpu.memory_space<vmem>>, %arg2: memref<10x1000xf32, #tpu.memory_space<vmem>>, %arg3: memref<8x24960xf32, #tpu.memory_space<vmem>>, %arg4: memref<128x1040xf32, #tpu.memory_space<vmem>>, %arg5: memref<8x5000xf32, #tpu.memory_space<vmem>>) attributes {dimension_semantics = [], scalar_prefetch = 0 : i64, scratch_operands = 0 : i64, tpu.core_type = #tpu.core_type<tc>} {
    %get3A = arith.constant 0 : index
    %get3A_0 = arith.constant 0 : index
    %get3A_1 = vector.load %arg0[%get3A, %get3A_0] : memref<128x1000xf32, #tpu.memory_space<vmem>>, vector<128x1000xf32>
    %get3A_2 = arith.constant 0 : index
    %get3A_3 = arith.constant 0 : index
    %get3A_4 = vector.load %arg2[%get3A_2, %get3A_3] : memref<10x1000xf32, #tpu.memory_space<vmem>>, vector<10x1000xf32>
    %get3A_5 = arith.constant 0 : index
    %get3A_6 = arith.constant 0 : index
    %get3A_7 = vector.load %arg1[%get3A_5, %get3A_6] : memref<10x5000xf32, #tpu.memory_space<vmem>>, vector<10x5000xf32>
    %mul3A = arith.mulf %get3A_4, %get3A_4 : vector<10x1000xf32>
    %reduce_sum3A = arith.constant dense<0.000000e+00> : vector<10xf32>
    %reduce_sum3A_8 = vector.multi_reduction <add>, %mul3A, %reduce_sum3A [1] : vector<10x1000xf32> to vector<10xf32>
    %broadcast_in_dim3A = vector.shape_cast %reduce_sum3A_8 : vector<10xf32> to vector<10x1xf32>
    %max3A = arith.constant 9.99999996E-13 : f32
    %max3A_9 = vector.broadcast %max3A : f32 to vector<10x1xf32>
    %max3A_10 = arith.maximumf %broadcast_in_dim3A, %max3A_9 : vector<10x1xf32>
    %rsqrt3A = math.rsqrt %max3A_10 : vector<10x1xf32>
    %mul3A_11 = vector.broadcast %rsqrt3A : vector<10x1xf32> to vector<10x1000xf32>
    %mul3A_12 = arith.mulf %get3A_4, %mul3A_11 : vector<10x1000xf32>
    %mul3A_13 = arith.mulf %get3A_1, %get3A_1 : vector<128x1000xf32>
    %reduce_sum3A_14 = arith.constant dense<0.000000e+00> : vector<128xf32>
    %reduce_sum3A_15 = vector.multi_reduction <add>, %mul3A_13, %reduce_sum3A_14 [1] : vector<128x1000xf32> to vector<128xf32>
    %broadcast_in_dim3A_16 = vector.shape_cast %reduce_sum3A_15 : vector<128xf32> to vector<128x1xf32>
    %max3A_17 = arith.constant 9.99999996E-13 : f32
    %max3A_18 = vector.broadcast %max3A_17 : f32 to vector<128x1xf32>
    %max3A_19 = arith.maximumf %broadcast_in_dim3A_16, %max3A_18 : vector<128x1xf32>
    %rsqrt3A_20 = math.rsqrt %max3A_19 : vector<128x1xf32>
    %mul3A_21 = vector.broadcast %rsqrt3A_20 : vector<128x1xf32> to vector<128x1000xf32>
    %mul3A_22 = arith.mulf %get3A_1, %mul3A_21 : vector<128x1000xf32>
    %dot_general3A = arith.constant dense<0.000000e+00> : vector<128x10xf32>
    %dot_general3A_23 = tpu.matmul %mul3A_22, %mul3A_12, %dot_general3A {dimension_numbers = #tpu.dot_dimension_numbers<[1], [1], [0], [0], [0, 0, 1, 0], [], []>, transpose_lhs_hint = false} : vector<128x1000xf32>, vector<10x1000xf32>, vector<128x10xf32> -> vector<128x10xf32>
    %iota3A = tpu.iota {dimensions = array<i32: 1>} : vector<1x10xi32>
    %broadcast_in_dim3A_24 = arith.constant 0 : i32
    %broadcast_in_dim3A_25 = vector.broadcast %broadcast_in_dim3A_24 : i32 to vector<128x10xi32>
    %slice3A = vector.extract_strided_slice %dot_general3A_23 {offsets = [0, 0], sizes = [128, 1], strides = [1, 1]} : vector<128x10xf32> to vector<128x1xf32>
    %gt3A = vector.broadcast %slice3A : vector<128x1xf32> to vector<128x10xf32>
    %gt3A_26 = arith.cmpf ogt, %gt3A, %dot_general3A_23 : vector<128x10xf32>
    %convert_element_type3A = arith.extui %gt3A_26 : vector<128x10xi1> to vector<128x10xi32>
    %eq3A = vector.broadcast %slice3A : vector<128x1xf32> to vector<128x10xf32>
    %eq3A_27 = arith.cmpf oeq, %eq3A, %dot_general3A_23 : vector<128x10xf32>
    %convert_element_type3A_28 = arith.extui %eq3A_27 : vector<128x10xi1> to vector<128x10xi32>
    %gt3A_29 = arith.constant 0 : i32
    %gt3A_30 = vector.broadcast %gt3A_29 : i32 to vector<1x10xi32>
    %gt3A_31 = arith.cmpi sgt, %iota3A, %gt3A_30 : vector<1x10xi32>
    %convert_element_type3A_32 = arith.extui %gt3A_31 : vector<1x10xi1> to vector<1x10xi32>
    %mul3A_33 = vector.broadcast %convert_element_type3A_32 : vector<1x10xi32> to vector<128x10xi32>
    %mul3A_34 = arith.muli %convert_element_type3A_28, %mul3A_33 : vector<128x10xi32>
    %add3A = arith.addi %broadcast_in_dim3A_25, %convert_element_type3A : vector<128x10xi32>
    %add3A_35 = arith.addi %add3A, %mul3A_34 : vector<128x10xi32>
    %slice3A_36 = vector.extract_strided_slice %dot_general3A_23 {offsets = [0, 1], sizes = [128, 1], strides = [1, 1]} : vector<128x10xf32> to vector<128x1xf32>
    %gt3A_37 = vector.broadcast %slice3A_36 : vector<128x1xf32> to vector<128x10xf32>
    %gt3A_38 = arith.cmpf ogt, %gt3A_37, %dot_general3A_23 : vector<128x10xf32>
    %convert_element_type3A_39 = arith.extui %gt3A_38 : vector<128x10xi1> to vector<128x10xi32>
    %eq3A_40 = vector.broadcast %slice3A_36 : vector<128x1xf32> to vector<128x10xf32>
    %eq3A_41 = arith.cmpf oeq, %eq3A_40, %dot_general3A_23 : vector<128x10xf32>
    %convert_element_type3A_42 = arith.extui %eq3A_41 : vector<128x10xi1> to vector<128x10xi32>
    %gt3A_43 = arith.constant 1 : i32
    %gt3A_44 = vector.broadcast %gt3A_43 : i32 to vector<1x10xi32>
    %gt3A_45 = arith.cmpi sgt, %iota3A, %gt3A_44 : vector<1x10xi32>
    %convert_element_type3A_46 = arith.extui %gt3A_45 : vector<1x10xi1> to vector<1x10xi32>
    %mul3A_47 = vector.broadcast %convert_element_type3A_46 : vector<1x10xi32> to vector<128x10xi32>
    %mul3A_48 = arith.muli %convert_element_type3A_42, %mul3A_47 : vector<128x10xi32>
    %add3A_49 = arith.addi %add3A_35, %convert_element_type3A_39 : vector<128x10xi32>
    %add3A_50 = arith.addi %add3A_49, %mul3A_48 : vector<128x10xi32>
    %slice3A_51 = vector.extract_strided_slice %dot_general3A_23 {offsets = [0, 2], sizes = [128, 1], strides = [1, 1]} : vector<128x10xf32> to vector<128x1xf32>
    %gt3A_52 = vector.broadcast %slice3A_51 : vector<128x1xf32> to vector<128x10xf32>
    %gt3A_53 = arith.cmpf ogt, %gt3A_52, %dot_general3A_23 : vector<128x10xf32>
    %convert_element_type3A_54 = arith.extui %gt3A_53 : vector<128x10xi1> to vector<128x10xi32>
    %eq3A_55 = vector.broadcast %slice3A_51 : vector<128x1xf32> to vector<128x10xf32>
    %eq3A_56 = arith.cmpf oeq, %eq3A_55, %dot_general3A_23 : vector<128x10xf32>
    %convert_element_type3A_57 = arith.extui %eq3A_56 : vector<128x10xi1> to vector<128x10xi32>
    %gt3A_58 = arith.constant 2 : i32
    %gt3A_59 = vector.broadcast %gt3A_58 : i32 to vector<1x10xi32>
    %gt3A_60 = arith.cmpi sgt, %iota3A, %gt3A_59 : vector<1x10xi32>
    %convert_element_type3A_61 = arith.extui %gt3A_60 : vector<1x10xi1> to vector<1x10xi32>
    %mul3A_62 = vector.broadcast %convert_element_type3A_61 : vector<1x10xi32> to vector<128x10xi32>
    %mul3A_63 = arith.muli %convert_element_type3A_57, %mul3A_62 : vector<128x10xi32>
    %add3A_64 = arith.addi %add3A_50, %convert_element_type3A_54 : vector<128x10xi32>
    %add3A_65 = arith.addi %add3A_64, %mul3A_63 : vector<128x10xi32>
    %slice3A_66 = vector.extract_strided_slice %dot_general3A_23 {offsets = [0, 3], sizes = [128, 1], strides = [1, 1]} : vector<128x10xf32> to vector<128x1xf32>
    %gt3A_67 = vector.broadcast %slice3A_66 : vector<128x1xf32> to vector<128x10xf32>
    %gt3A_68 = arith.cmpf ogt, %gt3A_67, %dot_general3A_23 : vector<128x10xf32>
    %convert_element_type3A_69 = arith.extui %gt3A_68 : vector<128x10xi1> to vector<128x10xi32>
    %eq3A_70 = vector.broadcast %slice3A_66 : vector<128x1xf32> to vector<128x10xf32>
    %eq3A_71 = arith.cmpf oeq, %eq3A_70, %dot_general3A_23 : vector<128x10xf32>
    %convert_element_type3A_72 = arith.extui %eq3A_71 : vector<128x10xi1> to vector<128x10xi32>
    %gt3A_73 = arith.constant 3 : i32
    %gt3A_74 = vector.broadcast %gt3A_73 : i32 to vector<1x10xi32>
    %gt3A_75 = arith.cmpi sgt, %iota3A, %gt3A_74 : vector<1x10xi32>
    %convert_element_type3A_76 = arith.extui %gt3A_75 : vector<1x10xi1> to vector<1x10xi32>
    %mul3A_77 = vector.broadcast %convert_element_type3A_76 : vector<1x10xi32> to vector<128x10xi32>
    %mul3A_78 = arith.muli %convert_element_type3A_72, %mul3A_77 : vector<128x10xi32>
    %add3A_79 = arith.addi %add3A_65, %convert_element_type3A_69 : vector<128x10xi32>
    %add3A_80 = arith.addi %add3A_79, %mul3A_78 : vector<128x10xi32>
    %slice3A_81 = vector.extract_strided_slice %dot_general3A_23 {offsets = [0, 4], sizes = [128, 1], strides = [1, 1]} : vector<128x10xf32> to vector<128x1xf32>
    %gt3A_82 = vector.broadcast %slice3A_81 : vector<128x1xf32> to vector<128x10xf32>
    %gt3A_83 = arith.cmpf ogt, %gt3A_82, %dot_general3A_23 : vector<128x10xf32>
    %convert_element_type3A_84 = arith.extui %gt3A_83 : vector<128x10xi1> to vector<128x10xi32>
    %eq3A_85 = vector.broadcast %slice3A_81 : vector<128x1xf32> to vector<128x10xf32>
    %eq3A_86 = arith.cmpf oeq, %eq3A_85, %dot_general3A_23 : vector<128x10xf32>
    %convert_element_type3A_87 = arith.extui %eq3A_86 : vector<128x10xi1> to vector<128x10xi32>
    %gt3A_88 = arith.constant 4 : i32
    %gt3A_89 = vector.broadcast %gt3A_88 : i32 to vector<1x10xi32>
    %gt3A_90 = arith.cmpi sgt, %iota3A, %gt3A_89 : vector<1x10xi32>
    %convert_element_type3A_91 = arith.extui %gt3A_90 : vector<1x10xi1> to vector<1x10xi32>
    %mul3A_92 = vector.broadcast %convert_element_type3A_91 : vector<1x10xi32> to vector<128x10xi32>
    %mul3A_93 = arith.muli %convert_element_type3A_87, %mul3A_92 : vector<128x10xi32>
    %add3A_94 = arith.addi %add3A_80, %convert_element_type3A_84 : vector<128x10xi32>
    %add3A_95 = arith.addi %add3A_94, %mul3A_93 : vector<128x10xi32>
    %slice3A_96 = vector.extract_strided_slice %dot_general3A_23 {offsets = [0, 5], sizes = [128, 1], strides = [1, 1]} : vector<128x10xf32> to vector<128x1xf32>
    %gt3A_97 = vector.broadcast %slice3A_96 : vector<128x1xf32> to vector<128x10xf32>
    %gt3A_98 = arith.cmpf ogt, %gt3A_97, %dot_general3A_23 : vector<128x10xf32>
    %convert_element_type3A_99 = arith.extui %gt3A_98 : vector<128x10xi1> to vector<128x10xi32>
    %eq3A_100 = vector.broadcast %slice3A_96 : vector<128x1xf32> to vector<128x10xf32>
    %eq3A_101 = arith.cmpf oeq, %eq3A_100, %dot_general3A_23 : vector<128x10xf32>
    %convert_element_type3A_102 = arith.extui %eq3A_101 : vector<128x10xi1> to vector<128x10xi32>
    %gt3A_103 = arith.constant 5 : i32
    %gt3A_104 = vector.broadcast %gt3A_103 : i32 to vector<1x10xi32>
    %gt3A_105 = arith.cmpi sgt, %iota3A, %gt3A_104 : vector<1x10xi32>
    %convert_element_type3A_106 = arith.extui %gt3A_105 : vector<1x10xi1> to vector<1x10xi32>
    %mul3A_107 = vector.broadcast %convert_element_type3A_106 : vector<1x10xi32> to vector<128x10xi32>
    %mul3A_108 = arith.muli %convert_element_type3A_102, %mul3A_107 : vector<128x10xi32>
    %add3A_109 = arith.addi %add3A_95, %convert_element_type3A_99 : vector<128x10xi32>
    %add3A_110 = arith.addi %add3A_109, %mul3A_108 : vector<128x10xi32>
    %slice3A_111 = vector.extract_strided_slice %dot_general3A_23 {offsets = [0, 6], sizes = [128, 1], strides = [1, 1]} : vector<128x10xf32> to vector<128x1xf32>
    %gt3A_112 = vector.broadcast %slice3A_111 : vector<128x1xf32> to vector<128x10xf32>
    %gt3A_113 = arith.cmpf ogt, %gt3A_112, %dot_general3A_23 : vector<128x10xf32>
    %convert_element_type3A_114 = arith.extui %gt3A_113 : vector<128x10xi1> to vector<128x10xi32>
    %eq3A_115 = vector.broadcast %slice3A_111 : vector<128x1xf32> to vector<128x10xf32>
    %eq3A_116 = arith.cmpf oeq, %eq3A_115, %dot_general3A_23 : vector<128x10xf32>
    %convert_element_type3A_117 = arith.extui %eq3A_116 : vector<128x10xi1> to vector<128x10xi32>
    %gt3A_118 = arith.constant 6 : i32
    %gt3A_119 = vector.broadcast %gt3A_118 : i32 to vector<1x10xi32>
    %gt3A_120 = arith.cmpi sgt, %iota3A, %gt3A_119 : vector<1x10xi32>
    %convert_element_type3A_121 = arith.extui %gt3A_120 : vector<1x10xi1> to vector<1x10xi32>
    %mul3A_122 = vector.broadcast %convert_element_type3A_121 : vector<1x10xi32> to vector<128x10xi32>
    %mul3A_123 = arith.muli %convert_element_type3A_117, %mul3A_122 : vector<128x10xi32>
    %add3A_124 = arith.addi %add3A_110, %convert_element_type3A_114 : vector<128x10xi32>
    %add3A_125 = arith.addi %add3A_124, %mul3A_123 : vector<128x10xi32>
    %slice3A_126 = vector.extract_strided_slice %dot_general3A_23 {offsets = [0, 7], sizes = [128, 1], strides = [1, 1]} : vector<128x10xf32> to vector<128x1xf32>
    %gt3A_127 = vector.broadcast %slice3A_126 : vector<128x1xf32> to vector<128x10xf32>
    %gt3A_128 = arith.cmpf ogt, %gt3A_127, %dot_general3A_23 : vector<128x10xf32>
    %convert_element_type3A_129 = arith.extui %gt3A_128 : vector<128x10xi1> to vector<128x10xi32>
    %eq3A_130 = vector.broadcast %slice3A_126 : vector<128x1xf32> to vector<128x10xf32>
    %eq3A_131 = arith.cmpf oeq, %eq3A_130, %dot_general3A_23 : vector<128x10xf32>
    %convert_element_type3A_132 = arith.extui %eq3A_131 : vector<128x10xi1> to vector<128x10xi32>
    %gt3A_133 = arith.constant 7 : i32
    %gt3A_134 = vector.broadcast %gt3A_133 : i32 to vector<1x10xi32>
    %gt3A_135 = arith.cmpi sgt, %iota3A, %gt3A_134 : vector<1x10xi32>
    %convert_element_type3A_136 = arith.extui %gt3A_135 : vector<1x10xi1> to vector<1x10xi32>
    %mul3A_137 = vector.broadcast %convert_element_type3A_136 : vector<1x10xi32> to vector<128x10xi32>
    %mul3A_138 = arith.muli %convert_element_type3A_132, %mul3A_137 : vector<128x10xi32>
    %add3A_139 = arith.addi %add3A_125, %convert_element_type3A_129 : vector<128x10xi32>
    %add3A_140 = arith.addi %add3A_139, %mul3A_138 : vector<128x10xi32>
    %slice3A_141 = vector.extract_strided_slice %dot_general3A_23 {offsets = [0, 8], sizes = [128, 1], strides = [1, 1]} : vector<128x10xf32> to vector<128x1xf32>
    %gt3A_142 = vector.broadcast %slice3A_141 : vector<128x1xf32> to vector<128x10xf32>
    %gt3A_143 = arith.cmpf ogt, %gt3A_142, %dot_general3A_23 : vector<128x10xf32>
    %convert_element_type3A_144 = arith.extui %gt3A_143 : vector<128x10xi1> to vector<128x10xi32>
    %eq3A_145 = vector.broadcast %slice3A_141 : vector<128x1xf32> to vector<128x10xf32>
    %eq3A_146 = arith.cmpf oeq, %eq3A_145, %dot_general3A_23 : vector<128x10xf32>
    %convert_element_type3A_147 = arith.extui %eq3A_146 : vector<128x10xi1> to vector<128x10xi32>
    %gt3A_148 = arith.constant 8 : i32
    %gt3A_149 = vector.broadcast %gt3A_148 : i32 to vector<1x10xi32>
    %gt3A_150 = arith.cmpi sgt, %iota3A, %gt3A_149 : vector<1x10xi32>
    %convert_element_type3A_151 = arith.extui %gt3A_150 : vector<1x10xi1> to vector<1x10xi32>
    %mul3A_152 = vector.broadcast %convert_element_type3A_151 : vector<1x10xi32> to vector<128x10xi32>
    %mul3A_153 = arith.muli %convert_element_type3A_147, %mul3A_152 : vector<128x10xi32>
    %add3A_154 = arith.addi %add3A_140, %convert_element_type3A_144 : vector<128x10xi32>
    %add3A_155 = arith.addi %add3A_154, %mul3A_153 : vector<128x10xi32>
    %slice3A_156 = vector.extract_strided_slice %dot_general3A_23 {offsets = [0, 9], sizes = [128, 1], strides = [1, 1]} : vector<128x10xf32> to vector<128x1xf32>
    %gt3A_157 = vector.broadcast %slice3A_156 : vector<128x1xf32> to vector<128x10xf32>
    %gt3A_158 = arith.cmpf ogt, %gt3A_157, %dot_general3A_23 : vector<128x10xf32>
    %convert_element_type3A_159 = arith.extui %gt3A_158 : vector<128x10xi1> to vector<128x10xi32>
    %eq3A_160 = vector.broadcast %slice3A_156 : vector<128x1xf32> to vector<128x10xf32>
    %eq3A_161 = arith.cmpf oeq, %eq3A_160, %dot_general3A_23 : vector<128x10xf32>
    %convert_element_type3A_162 = arith.extui %eq3A_161 : vector<128x10xi1> to vector<128x10xi32>
    %gt3A_163 = arith.constant 9 : i32
    %gt3A_164 = vector.broadcast %gt3A_163 : i32 to vector<1x10xi32>
    %gt3A_165 = arith.cmpi sgt, %iota3A, %gt3A_164 : vector<1x10xi32>
    %convert_element_type3A_166 = arith.extui %gt3A_165 : vector<1x10xi1> to vector<1x10xi32>
    %mul3A_167 = vector.broadcast %convert_element_type3A_166 : vector<1x10xi32> to vector<128x10xi32>
    %mul3A_168 = arith.muli %convert_element_type3A_162, %mul3A_167 : vector<128x10xi32>
    %add3A_169 = arith.addi %add3A_155, %convert_element_type3A_159 : vector<128x10xi32>
    %add3A_170 = arith.addi %add3A_169, %mul3A_168 : vector<128x10xi32>
    %lt3A = arith.constant 5 : i32
    %lt3A_171 = vector.broadcast %lt3A : i32 to vector<128x10xi32>
    %lt3A_172 = arith.cmpi slt, %add3A_170, %lt3A_171 : vector<128x10xi32>
    %convert_element_type3A_173 = arith.extui %lt3A_172 : vector<128x10xi1> to vector<128x10xi32>
    %reduce_sum3A_174 = arith.constant dense<0> : vector<10xi32>
    %reduce_sum3A_175 = vector.multi_reduction <add>, %convert_element_type3A_173, %reduce_sum3A_174 [0] : vector<128x10xi32> to vector<10xi32>
    %broadcast_in_dim3A_176 = vector.shape_cast %reduce_sum3A_175 : vector<10xi32> to vector<1x10xi32>
    %broadcast_in_dim3A_177 = arith.constant 0 : i32
    %broadcast_in_dim3A_178 = vector.broadcast %broadcast_in_dim3A_177 : i32 to vector<1x10xi32>
    %slice3A_179 = vector.extract_strided_slice %broadcast_in_dim3A_176 {offsets = [0, 0], sizes = [1, 1], strides = [1, 1]} : vector<1x10xi32> to vector<1x1xi32>
    %gt3A_180 = vector.broadcast %slice3A_179 : vector<1x1xi32> to vector<1x10xi32>
    %gt3A_181 = arith.cmpi sgt, %gt3A_180, %broadcast_in_dim3A_176 : vector<1x10xi32>
    %convert_element_type3A_182 = arith.extui %gt3A_181 : vector<1x10xi1> to vector<1x10xi32>
    %eq3A_183 = vector.broadcast %slice3A_179 : vector<1x1xi32> to vector<1x10xi32>
    %eq3A_184 = arith.cmpi eq, %eq3A_183, %broadcast_in_dim3A_176 : vector<1x10xi32>
    %convert_element_type3A_185 = arith.extui %eq3A_184 : vector<1x10xi1> to vector<1x10xi32>
    %gt3A_186 = arith.constant 0 : i32
    %gt3A_187 = vector.broadcast %gt3A_186 : i32 to vector<1x10xi32>
    %gt3A_188 = arith.cmpi sgt, %iota3A, %gt3A_187 : vector<1x10xi32>
    %convert_element_type3A_189 = arith.extui %gt3A_188 : vector<1x10xi1> to vector<1x10xi32>
    %mul3A_190 = arith.muli %convert_element_type3A_185, %convert_element_type3A_189 : vector<1x10xi32>
    %add3A_191 = arith.addi %broadcast_in_dim3A_178, %convert_element_type3A_182 : vector<1x10xi32>
    %add3A_192 = arith.addi %add3A_191, %mul3A_190 : vector<1x10xi32>
    %slice3A_193 = vector.extract_strided_slice %broadcast_in_dim3A_176 {offsets = [0, 1], sizes = [1, 1], strides = [1, 1]} : vector<1x10xi32> to vector<1x1xi32>
    %gt3A_194 = vector.broadcast %slice3A_193 : vector<1x1xi32> to vector<1x10xi32>
    %gt3A_195 = arith.cmpi sgt, %gt3A_194, %broadcast_in_dim3A_176 : vector<1x10xi32>
    %convert_element_type3A_196 = arith.extui %gt3A_195 : vector<1x10xi1> to vector<1x10xi32>
    %eq3A_197 = vector.broadcast %slice3A_193 : vector<1x1xi32> to vector<1x10xi32>
    %eq3A_198 = arith.cmpi eq, %eq3A_197, %broadcast_in_dim3A_176 : vector<1x10xi32>
    %convert_element_type3A_199 = arith.extui %eq3A_198 : vector<1x10xi1> to vector<1x10xi32>
    %gt3A_200 = arith.constant 1 : i32
    %gt3A_201 = vector.broadcast %gt3A_200 : i32 to vector<1x10xi32>
    %gt3A_202 = arith.cmpi sgt, %iota3A, %gt3A_201 : vector<1x10xi32>
    %convert_element_type3A_203 = arith.extui %gt3A_202 : vector<1x10xi1> to vector<1x10xi32>
    %mul3A_204 = arith.muli %convert_element_type3A_199, %convert_element_type3A_203 : vector<1x10xi32>
    %add3A_205 = arith.addi %add3A_192, %convert_element_type3A_196 : vector<1x10xi32>
    %add3A_206 = arith.addi %add3A_205, %mul3A_204 : vector<1x10xi32>
    %slice3A_207 = vector.extract_strided_slice %broadcast_in_dim3A_176 {offsets = [0, 2], sizes = [1, 1], strides = [1, 1]} : vector<1x10xi32> to vector<1x1xi32>
    %gt3A_208 = vector.broadcast %slice3A_207 : vector<1x1xi32> to vector<1x10xi32>
    %gt3A_209 = arith.cmpi sgt, %gt3A_208, %broadcast_in_dim3A_176 : vector<1x10xi32>
    %convert_element_type3A_210 = arith.extui %gt3A_209 : vector<1x10xi1> to vector<1x10xi32>
    %eq3A_211 = vector.broadcast %slice3A_207 : vector<1x1xi32> to vector<1x10xi32>
    %eq3A_212 = arith.cmpi eq, %eq3A_211, %broadcast_in_dim3A_176 : vector<1x10xi32>
    %convert_element_type3A_213 = arith.extui %eq3A_212 : vector<1x10xi1> to vector<1x10xi32>
    %gt3A_214 = arith.constant 2 : i32
    %gt3A_215 = vector.broadcast %gt3A_214 : i32 to vector<1x10xi32>
    %gt3A_216 = arith.cmpi sgt, %iota3A, %gt3A_215 : vector<1x10xi32>
    %convert_element_type3A_217 = arith.extui %gt3A_216 : vector<1x10xi1> to vector<1x10xi32>
    %mul3A_218 = arith.muli %convert_element_type3A_213, %convert_element_type3A_217 : vector<1x10xi32>
    %add3A_219 = arith.addi %add3A_206, %convert_element_type3A_210 : vector<1x10xi32>
    %add3A_220 = arith.addi %add3A_219, %mul3A_218 : vector<1x10xi32>
    %slice3A_221 = vector.extract_strided_slice %broadcast_in_dim3A_176 {offsets = [0, 3], sizes = [1, 1], strides = [1, 1]} : vector<1x10xi32> to vector<1x1xi32>
    %gt3A_222 = vector.broadcast %slice3A_221 : vector<1x1xi32> to vector<1x10xi32>
    %gt3A_223 = arith.cmpi sgt, %gt3A_222, %broadcast_in_dim3A_176 : vector<1x10xi32>
    %convert_element_type3A_224 = arith.extui %gt3A_223 : vector<1x10xi1> to vector<1x10xi32>
    %eq3A_225 = vector.broadcast %slice3A_221 : vector<1x1xi32> to vector<1x10xi32>
    %eq3A_226 = arith.cmpi eq, %eq3A_225, %broadcast_in_dim3A_176 : vector<1x10xi32>
    %convert_element_type3A_227 = arith.extui %eq3A_226 : vector<1x10xi1> to vector<1x10xi32>
    %gt3A_228 = arith.constant 3 : i32
    %gt3A_229 = vector.broadcast %gt3A_228 : i32 to vector<1x10xi32>
    %gt3A_230 = arith.cmpi sgt, %iota3A, %gt3A_229 : vector<1x10xi32>
    %convert_element_type3A_231 = arith.extui %gt3A_230 : vector<1x10xi1> to vector<1x10xi32>
    %mul3A_232 = arith.muli %convert_element_type3A_227, %convert_element_type3A_231 : vector<1x10xi32>
    %add3A_233 = arith.addi %add3A_220, %convert_element_type3A_224 : vector<1x10xi32>
    %add3A_234 = arith.addi %add3A_233, %mul3A_232 : vector<1x10xi32>
    %slice3A_235 = vector.extract_strided_slice %broadcast_in_dim3A_176 {offsets = [0, 4], sizes = [1, 1], strides = [1, 1]} : vector<1x10xi32> to vector<1x1xi32>
    %gt3A_236 = vector.broadcast %slice3A_235 : vector<1x1xi32> to vector<1x10xi32>
    %gt3A_237 = arith.cmpi sgt, %gt3A_236, %broadcast_in_dim3A_176 : vector<1x10xi32>
    %convert_element_type3A_238 = arith.extui %gt3A_237 : vector<1x10xi1> to vector<1x10xi32>
    %eq3A_239 = vector.broadcast %slice3A_235 : vector<1x1xi32> to vector<1x10xi32>
    %eq3A_240 = arith.cmpi eq, %eq3A_239, %broadcast_in_dim3A_176 : vector<1x10xi32>
    %convert_element_type3A_241 = arith.extui %eq3A_240 : vector<1x10xi1> to vector<1x10xi32>
    %gt3A_242 = arith.constant 4 : i32
    %gt3A_243 = vector.broadcast %gt3A_242 : i32 to vector<1x10xi32>
    %gt3A_244 = arith.cmpi sgt, %iota3A, %gt3A_243 : vector<1x10xi32>
    %convert_element_type3A_245 = arith.extui %gt3A_244 : vector<1x10xi1> to vector<1x10xi32>
    %mul3A_246 = arith.muli %convert_element_type3A_241, %convert_element_type3A_245 : vector<1x10xi32>
    %add3A_247 = arith.addi %add3A_234, %convert_element_type3A_238 : vector<1x10xi32>
    %add3A_248 = arith.addi %add3A_247, %mul3A_246 : vector<1x10xi32>
    %slice3A_249 = vector.extract_strided_slice %broadcast_in_dim3A_176 {offsets = [0, 5], sizes = [1, 1], strides = [1, 1]} : vector<1x10xi32> to vector<1x1xi32>
    %gt3A_250 = vector.broadcast %slice3A_249 : vector<1x1xi32> to vector<1x10xi32>
    %gt3A_251 = arith.cmpi sgt, %gt3A_250, %broadcast_in_dim3A_176 : vector<1x10xi32>
    %convert_element_type3A_252 = arith.extui %gt3A_251 : vector<1x10xi1> to vector<1x10xi32>
    %eq3A_253 = vector.broadcast %slice3A_249 : vector<1x1xi32> to vector<1x10xi32>
    %eq3A_254 = arith.cmpi eq, %eq3A_253, %broadcast_in_dim3A_176 : vector<1x10xi32>
    %convert_element_type3A_255 = arith.extui %eq3A_254 : vector<1x10xi1> to vector<1x10xi32>
    %gt3A_256 = arith.constant 5 : i32
    %gt3A_257 = vector.broadcast %gt3A_256 : i32 to vector<1x10xi32>
    %gt3A_258 = arith.cmpi sgt, %iota3A, %gt3A_257 : vector<1x10xi32>
    %convert_element_type3A_259 = arith.extui %gt3A_258 : vector<1x10xi1> to vector<1x10xi32>
    %mul3A_260 = arith.muli %convert_element_type3A_255, %convert_element_type3A_259 : vector<1x10xi32>
    %add3A_261 = arith.addi %add3A_248, %convert_element_type3A_252 : vector<1x10xi32>
    %add3A_262 = arith.addi %add3A_261, %mul3A_260 : vector<1x10xi32>
    %slice3A_263 = vector.extract_strided_slice %broadcast_in_dim3A_176 {offsets = [0, 6], sizes = [1, 1], strides = [1, 1]} : vector<1x10xi32> to vector<1x1xi32>
    %gt3A_264 = vector.broadcast %slice3A_263 : vector<1x1xi32> to vector<1x10xi32>
    %gt3A_265 = arith.cmpi sgt, %gt3A_264, %broadcast_in_dim3A_176 : vector<1x10xi32>
    %convert_element_type3A_266 = arith.extui %gt3A_265 : vector<1x10xi1> to vector<1x10xi32>
    %eq3A_267 = vector.broadcast %slice3A_263 : vector<1x1xi32> to vector<1x10xi32>
    %eq3A_268 = arith.cmpi eq, %eq3A_267, %broadcast_in_dim3A_176 : vector<1x10xi32>
    %convert_element_type3A_269 = arith.extui %eq3A_268 : vector<1x10xi1> to vector<1x10xi32>
    %gt3A_270 = arith.constant 6 : i32
    %gt3A_271 = vector.broadcast %gt3A_270 : i32 to vector<1x10xi32>
    %gt3A_272 = arith.cmpi sgt, %iota3A, %gt3A_271 : vector<1x10xi32>
    %convert_element_type3A_273 = arith.extui %gt3A_272 : vector<1x10xi1> to vector<1x10xi32>
    %mul3A_274 = arith.muli %convert_element_type3A_269, %convert_element_type3A_273 : vector<1x10xi32>
    %add3A_275 = arith.addi %add3A_262, %convert_element_type3A_266 : vector<1x10xi32>
    %add3A_276 = arith.addi %add3A_275, %mul3A_274 : vector<1x10xi32>
    %slice3A_277 = vector.extract_strided_slice %broadcast_in_dim3A_176 {offsets = [0, 7], sizes = [1, 1], strides = [1, 1]} : vector<1x10xi32> to vector<1x1xi32>
    %gt3A_278 = vector.broadcast %slice3A_277 : vector<1x1xi32> to vector<1x10xi32>
    %gt3A_279 = arith.cmpi sgt, %gt3A_278, %broadcast_in_dim3A_176 : vector<1x10xi32>
    %convert_element_type3A_280 = arith.extui %gt3A_279 : vector<1x10xi1> to vector<1x10xi32>
    %eq3A_281 = vector.broadcast %slice3A_277 : vector<1x1xi32> to vector<1x10xi32>
    %eq3A_282 = arith.cmpi eq, %eq3A_281, %broadcast_in_dim3A_176 : vector<1x10xi32>
    %convert_element_type3A_283 = arith.extui %eq3A_282 : vector<1x10xi1> to vector<1x10xi32>
    %gt3A_284 = arith.constant 7 : i32
    %gt3A_285 = vector.broadcast %gt3A_284 : i32 to vector<1x10xi32>
    %gt3A_286 = arith.cmpi sgt, %iota3A, %gt3A_285 : vector<1x10xi32>
    %convert_element_type3A_287 = arith.extui %gt3A_286 : vector<1x10xi1> to vector<1x10xi32>
    %mul3A_288 = arith.muli %convert_element_type3A_283, %convert_element_type3A_287 : vector<1x10xi32>
    %add3A_289 = arith.addi %add3A_276, %convert_element_type3A_280 : vector<1x10xi32>
    %add3A_290 = arith.addi %add3A_289, %mul3A_288 : vector<1x10xi32>
    %slice3A_291 = vector.extract_strided_slice %broadcast_in_dim3A_176 {offsets = [0, 8], sizes = [1, 1], strides = [1, 1]} : vector<1x10xi32> to vector<1x1xi32>
    %gt3A_292 = vector.broadcast %slice3A_291 : vector<1x1xi32> to vector<1x10xi32>
    %gt3A_293 = arith.cmpi sgt, %gt3A_292, %broadcast_in_dim3A_176 : vector<1x10xi32>
    %convert_element_type3A_294 = arith.extui %gt3A_293 : vector<1x10xi1> to vector<1x10xi32>
    %eq3A_295 = vector.broadcast %slice3A_291 : vector<1x1xi32> to vector<1x10xi32>
    %eq3A_296 = arith.cmpi eq, %eq3A_295, %broadcast_in_dim3A_176 : vector<1x10xi32>
    %convert_element_type3A_297 = arith.extui %eq3A_296 : vector<1x10xi1> to vector<1x10xi32>
    %gt3A_298 = arith.constant 8 : i32
    %gt3A_299 = vector.broadcast %gt3A_298 : i32 to vector<1x10xi32>
    %gt3A_300 = arith.cmpi sgt, %iota3A, %gt3A_299 : vector<1x10xi32>
    %convert_element_type3A_301 = arith.extui %gt3A_300 : vector<1x10xi1> to vector<1x10xi32>
    %mul3A_302 = arith.muli %convert_element_type3A_297, %convert_element_type3A_301 : vector<1x10xi32>
    %add3A_303 = arith.addi %add3A_290, %convert_element_type3A_294 : vector<1x10xi32>
    %add3A_304 = arith.addi %add3A_303, %mul3A_302 : vector<1x10xi32>
    %slice3A_305 = vector.extract_strided_slice %broadcast_in_dim3A_176 {offsets = [0, 9], sizes = [1, 1], strides = [1, 1]} : vector<1x10xi32> to vector<1x1xi32>
    %gt3A_306 = vector.broadcast %slice3A_305 : vector<1x1xi32> to vector<1x10xi32>
    %gt3A_307 = arith.cmpi sgt, %gt3A_306, %broadcast_in_dim3A_176 : vector<1x10xi32>
    %convert_element_type3A_308 = arith.extui %gt3A_307 : vector<1x10xi1> to vector<1x10xi32>
    %eq3A_309 = vector.broadcast %slice3A_305 : vector<1x1xi32> to vector<1x10xi32>
    %eq3A_310 = arith.cmpi eq, %eq3A_309, %broadcast_in_dim3A_176 : vector<1x10xi32>
    %convert_element_type3A_311 = arith.extui %eq3A_310 : vector<1x10xi1> to vector<1x10xi32>
    %gt3A_312 = arith.constant 9 : i32
    %gt3A_313 = vector.broadcast %gt3A_312 : i32 to vector<1x10xi32>
    %gt3A_314 = arith.cmpi sgt, %iota3A, %gt3A_313 : vector<1x10xi32>
    %convert_element_type3A_315 = arith.extui %gt3A_314 : vector<1x10xi1> to vector<1x10xi32>
    %mul3A_316 = arith.muli %convert_element_type3A_311, %convert_element_type3A_315 : vector<1x10xi32>
    %add3A_317 = arith.addi %add3A_304, %convert_element_type3A_308 : vector<1x10xi32>
    %add3A_318 = arith.addi %add3A_317, %mul3A_316 : vector<1x10xi32>
    %lt3A_319 = arith.constant 5 : i32
    %lt3A_320 = vector.broadcast %lt3A_319 : i32 to vector<1x10xi32>
    %lt3A_321 = arith.cmpi slt, %add3A_318, %lt3A_320 : vector<1x10xi32>
    %convert_element_type3A_322 = arith.extui %lt3A_321 : vector<1x10xi1> to vector<1x10xi32>
    %convert_element_type3A_323 = arith.sitofp %convert_element_type3A_322 : vector<1x10xi32> to vector<1x10xf32>
    %iota3A_324 = tpu.iota {dimensions = array<i32: 0>} : vector<10x10xi32>
    %iota3A_325 = tpu.iota {dimensions = array<i32: 1>} : vector<10x10xi32>
    %lt3A_326 = arith.cmpi slt, %iota3A_324, %iota3A_325 : vector<10x10xi32>
    %convert_element_type3A_327 = arith.extui %lt3A_326 : vector<10x10xi1> to vector<10x10xi32>
    %convert_element_type3A_328 = arith.sitofp %convert_element_type3A_327 : vector<10x10xi32> to vector<10x10xf32>
    %dot_general3A_329 = arith.constant dense<0.000000e+00> : vector<1x10xf32>
    %dot_general3A_330 = tpu.matmul %convert_element_type3A_323, %convert_element_type3A_328, %dot_general3A_329 {dimension_numbers = #tpu.dot_dimension_numbers<[1], [0], [0], [1], [0, 0, 1, 1], [], []>, precision = #tpu.contract_precision<fp32>, transpose_lhs_hint = false} : vector<1x10xf32>, vector<10x10xf32>, vector<1x10xf32> -> vector<1x10xf32>
    %iota3A_331 = tpu.iota {dimensions = array<i32: 0>} : vector<5x10xi32>
    %convert_element_type3A_332 = arith.sitofp %iota3A_331 : vector<5x10xi32> to vector<5x10xf32>
    %eq3A_333 = vector.broadcast %dot_general3A_330 : vector<1x10xf32> to vector<5x10xf32>
    %eq3A_334 = arith.cmpf oeq, %convert_element_type3A_332, %eq3A_333 : vector<5x10xf32>
    %and3A = vector.broadcast %lt3A_321 : vector<1x10xi1> to vector<5x10xi1>
    %and3A_335 = arith.andi %eq3A_334, %and3A : vector<5x10xi1>
    %convert_element_type3A_336 = arith.extui %and3A_335 : vector<5x10xi1> to vector<5x10xi32>
    %convert_element_type3A_337 = arith.sitofp %convert_element_type3A_336 : vector<5x10xi32> to vector<5x10xf32>
    %dot_general3A_338 = arith.constant dense<0.000000e+00> : vector<5x1000xf32>
    %dot_general3A_339 = tpu.matmul %convert_element_type3A_337, %mul3A_12, %dot_general3A_338 {dimension_numbers = #tpu.dot_dimension_numbers<[1], [0], [0], [1], [0, 0, 1, 1], [], []>, precision = #tpu.contract_precision<fp32>, transpose_lhs_hint = false} : vector<5x10xf32>, vector<10x1000xf32>, vector<5x1000xf32> -> vector<5x1000xf32>
    %dot_general3A_340 = arith.constant dense<0.000000e+00> : vector<5x5000xf32>
    %dot_general3A_341 = tpu.matmul %convert_element_type3A_337, %get3A_7, %dot_general3A_340 {dimension_numbers = #tpu.dot_dimension_numbers<[1], [0], [0], [1], [0, 0, 1, 1], [], []>, precision = #tpu.contract_precision<fp32>, transpose_lhs_hint = false} : vector<5x10xf32>, vector<10x5000xf32>, vector<5x5000xf32> -> vector<5x5000xf32>
    %slice3A_342 = vector.extract_strided_slice %dot_general3A_339 {offsets = [0, 0], sizes = [1, 1000], strides = [1, 1]} : vector<5x1000xf32> to vector<1x1000xf32>
    %slice3A_343 = vector.extract_strided_slice %dot_general3A_339 {offsets = [1, 0], sizes = [1, 1000], strides = [1, 1]} : vector<5x1000xf32> to vector<1x1000xf32>
    %slice3A_344 = vector.extract_strided_slice %dot_general3A_339 {offsets = [2, 0], sizes = [1, 1000], strides = [1, 1]} : vector<5x1000xf32> to vector<1x1000xf32>
    %slice3A_345 = vector.extract_strided_slice %dot_general3A_339 {offsets = [3, 0], sizes = [1, 1000], strides = [1, 1]} : vector<5x1000xf32> to vector<1x1000xf32>
    %slice3A_346 = vector.extract_strided_slice %dot_general3A_339 {offsets = [4, 0], sizes = [1, 1000], strides = [1, 1]} : vector<5x1000xf32> to vector<1x1000xf32>
    %concatenate3A = tpu.concatenate %slice3A_342, %slice3A_343, %slice3A_344, %slice3A_345, %slice3A_346 in 1 : vector<1x1000xf32>, vector<1x1000xf32>, vector<1x1000xf32>, vector<1x1000xf32>, vector<1x1000xf32> -> vector<1x5000xf32>
    %slice3A_347 = vector.extract_strided_slice %dot_general3A_341 {offsets = [0, 0], sizes = [1, 5000], strides = [1, 1]} : vector<5x5000xf32> to vector<1x5000xf32>
    %slice3A_348 = vector.extract_strided_slice %dot_general3A_341 {offsets = [1, 0], sizes = [1, 5000], strides = [1, 1]} : vector<5x5000xf32> to vector<1x5000xf32>
    %slice3A_349 = vector.extract_strided_slice %dot_general3A_341 {offsets = [2, 0], sizes = [1, 5000], strides = [1, 1]} : vector<5x5000xf32> to vector<1x5000xf32>
    %slice3A_350 = vector.extract_strided_slice %dot_general3A_341 {offsets = [3, 0], sizes = [1, 5000], strides = [1, 1]} : vector<5x5000xf32> to vector<1x5000xf32>
    %slice3A_351 = vector.extract_strided_slice %dot_general3A_341 {offsets = [4, 0], sizes = [1, 5000], strides = [1, 1]} : vector<5x5000xf32> to vector<1x5000xf32>
    %concatenate3A_352 = tpu.concatenate %slice3A_347, %slice3A_348, %slice3A_349, %slice3A_350, %slice3A_351 in 1 : vector<1x5000xf32>, vector<1x5000xf32>, vector<1x5000xf32>, vector<1x5000xf32>, vector<1x5000xf32> -> vector<1x25000xf32>
    %slice3A_353 = vector.extract_strided_slice %concatenate3A_352 {offsets = [0, 0], sizes = [1, 24960], strides = [1, 1]} : vector<1x25000xf32> to vector<1x24960xf32>
    %broadcast_in_dim3A_354 = vector.shape_cast %slice3A_353 : vector<1x24960xf32> to vector<1x24960xf32>
    %broadcast_in_dim3A_355 = vector.broadcast %broadcast_in_dim3A_354 : vector<1x24960xf32> to vector<8x24960xf32>
    %swap3A = arith.constant 0 : index
    %swap3A_356 = arith.constant 0 : index
    %swap3A_357 = vector.load %arg3[%swap3A, %swap3A_356] : memref<8x24960xf32, #tpu.memory_space<vmem>>, vector<8x24960xf32>
    tpu.vector_store %arg3[%swap3A, %swap3A_356], %broadcast_in_dim3A_355 {strides = array<i32>} : memref<8x24960xf32, #tpu.memory_space<vmem>>, vector<8x24960xf32>,
    %slice3A_358 = vector.extract_strided_slice %concatenate3A_352 {offsets = [0, 24960], sizes = [1, 40], strides = [1, 1]} : vector<1x25000xf32> to vector<1x40xf32>
    %broadcast_in_dim3A_359 = vector.shape_cast %slice3A_358 : vector<1x40xf32> to vector<1x40xf32>
    %broadcast_in_dim3A_360 = vector.broadcast %broadcast_in_dim3A_359 : vector<1x40xf32> to vector<128x40xf32>
    %concatenate3A_361 = tpu.concatenate %broadcast_in_dim3A_360, %get3A_1 in 1 : vector<128x40xf32>, vector<128x1000xf32> -> vector<128x1040xf32>
    %swap3A_362 = arith.constant 0 : index
    %swap3A_363 = arith.constant 0 : index
    %swap3A_364 = vector.load %arg4[%swap3A_362, %swap3A_363] : memref<128x1040xf32, #tpu.memory_space<vmem>>, vector<128x1040xf32>
    tpu.vector_store %arg4[%swap3A_362, %swap3A_363], %concatenate3A_361 {strides = array<i32>} : memref<128x1040xf32, #tpu.memory_space<vmem>>, vector<128x1040xf32>,
    %broadcast_in_dim3A_365 = vector.shape_cast %concatenate3A : vector<1x5000xf32> to vector<1x5000xf32>
    %broadcast_in_dim3A_366 = vector.broadcast %broadcast_in_dim3A_365 : vector<1x5000xf32> to vector<8x5000xf32>
    %swap3A_367 = arith.constant 0 : index
    %swap3A_368 = arith.constant 0 : index
    %swap3A_369 = vector.load %arg5[%swap3A_367, %swap3A_368] : memref<8x5000xf32, #tpu.memory_space<vmem>>, vector<8x5000xf32>
    tpu.vector_store %arg5[%swap3A_367, %swap3A_368], %broadcast_in_dim3A_366 {strides = array<i32>} : memref<8x5000xf32, #tpu.memory_space<vmem>>, vector<8x5000xf32>,
    return
  }
}

</mosaic_0001>

<sc_bundles>
// kernel: kernel.5.cloned.1.call-start
scs
__scs_entry_jumppad:
0x0: {  	(pc) =	sbr.rel $0x88, $3  }
0x1: {  	(tag) =	ssettag $0x0;
	lr =	simm.s32 $0x1  }
0x2: {  	[smem:$0x3F9E] =	sst lr;
	_ =	strace $0xD0000000  }
0x3: {  	_ = 	snop  }
0x4: {  	_ = 	snop  }
0x5: {  	_ = 	snop  }
0x6: {  	_ = 	snop  }
0x7: {  	_ = 	snop  }
__scs_overlays_trampoline_lowered:
0x8: {  	[smem:$0x3FAD] =	sst s0  }
0x9: {  	[smem:$0x3FAE] =	sst s1  }
0xa: {  	[smem:$0x3FAF] =	sst s2  }
0xb: {  	[smem:$0x3FB0] =	sst s3  }
0xc: {  	[smem:$0x3FB1] =	sst s4  }
0xd: {  	[smem:$0x3FB2] =	sst s5  }
0xe: {  	[smem:$0x3FB3] =	sst s6  }
0xf: {  	[smem:$0x3FB4] =	sst s7  }
0x10: {  	[smem:$0x3FB5] =	sst s8  }
0x11: {  	[smem:$0x3FB6] =	sst s9;
	s0 =	simm.s32 @!p0 $0x0  }
0x12: {  	s1 =	sld [smem:$0x3F9C];
	s0 =	simm.s32 @p0 $0x1  }
0x13: {  	[smem:$0x3FB7] =	sst s0;
	s0 =	simm.s32 @!p1 $0x0  }
0x14: {  	s2 =	sld [smem:$0x3F9B];
	s0 =	simm.s32 @p1 $0x1  }
0x15: {  	[smem:$0x3FB8] =	sst s0;
	s0 =	simm.s32 @!p2 $0x0  }
0x16: {  	s3 =	sld [smem:$0x3FDB];
	s0 =	simm.s32 @p2 $0x1  }
0x17: {  	s4 =	simm.s32 $0x1BF5;
	[smem:$0x3FBA] =	sst s0  }
0x18: {  	s0 =	sld [smem:$0x3F9D];
	_ =	swait.ge [sflag:s4], $0x0  }
0x19: {  	s7 =	sld [smem:$0x3F9E]  }
0x1a: {  	s8 =	sadd.s32 $0xFFFFE003, lr  }
0x1b: {  	s9 =	sadd.s32 $0xFFFFFEF7, lr;
	s5 =	simm.s32 $0xFFFFFFFF;
	p2 =	slt.u32 s8, $0xFFFFF086  }
0x1c: {  	p1 =	slt.u32 s9, $0xF7A;
	s5 =	simm.s32 @!p2 $0x0  }
0x1d: {  	s5 =	simm.s32 @p1 $0x1;
	p0 =	seq.s32 s7, s2  }
0x1e: {  	s7 =	smul.u32 @!p0 $0xF7A, s2;
	p2 =	seq.s32 @!p0 s5, $0x0  }
0x1f: {  	s9 =	smul.u32 $0xF7A, s1;
	s8 =	simm.s32 @!p0 $0x1BF5;
	p2 =	por !p2, p0  }
0x20: {  	[sflag:s8] =	ssyncset.s32 @!p0 $0xFFFFF086;
	s6 =	sadd.s32 @!p0 s3, s7;
	s7 =	simm.s32 @!p0 $0x108  }
0x21: {  	s3 =	sadd.s32 s3, s9;
	s6 =	sadd.s32 @!p0 $0x88, s6;
	s7 =	simm.s32 @p2 $0x1082  }
0x22: {  	[simem:s7], [sflag:s8] =	dma.local @!p0 [hbm:s6], $0xF7A  }
0x23: {  	s9 =	sor.u32 $0xD0000000, s2;
	s6 =	simm.s32 $0x108;
	_ =	swait.ge @!p0 [sflag:s8], $0x0  }
0x24: {  	s3 =	sadd.s32 $0x88, s3;
	s6 =	simm.s32 @!p1 $0x1082;
	[sflag:s4] =	ssyncset.s32 $0xFFFFF086  }
0x25: {  	[simem:s6], [sflag:s4] =	dma.local [hbm:s3], $0xF7A  }
0x26: {  	[smem:$0x3F9E] =	sst s1;
	(tag) =	ssettag s2;
	_ =	strace s9  }
0x27: {  	s1 =	sld [smem:$0x3FAE]  }
0x28: {  	s2 =	sld [smem:$0x3FAF]  }
0x29: {  	s4 =	sld [smem:$0x3FB1]  }
0x2a: {  	p0 =	seq.s32 s5, $0x0;
	s5 =	sld [smem:$0x3FB2]  }
0x2b: {  	s6 =	sld [smem:$0x3FB3]  }
0x2c: {  	s7 =	sld [smem:$0x3FB4]  }
0x2d: {  	s3 =	simm.s32 $0x108;
	s8 =	sld [smem:$0x3FB5]  }
0x2e: {  	s3 =	simm.s32 @!p0 $0x1082;
	s9 =	sld [smem:$0x3FB6]  }
0x2f: {  	lr =	sadd.s32 s0, s3;
	s0 =	sld [smem:$0x3FAD]  }
0x30: {  	s3 =	sld [smem:$0x3FB0]  }
0x31: {  	[smem:$0x3FB9] =	sst s10  }
0x32: {  	s10 =	sld [smem:$0x3FB7];
	_ =	sdelay $0x3  }
0x33: {  	p0 =	seq.s32 s10, $0x1;
	s10 =	sld [smem:$0x3FB9];
	_ =	sdelay $0x3  }
0x34: {  	[smem:$0x3FB9] =	sst s10  }
0x35: {  	s10 =	sld [smem:$0x3FB8];
	_ =	sdelay $0x3  }
0x36: {  	p1 =	seq.s32 s10, $0x1;
	s10 =	sld [smem:$0x3FB9];
	_ =	sdelay $0x3  }
0x37: {  	[smem:$0x3FB9] =	sst s10  }
0x38: {  	s10 =	sld [smem:$0x3FBA]  }
0x39: {  	_ = 	snop;
	(pc) =	sbr.ind lr, $3  }
0x3a: {  	_ = 	snop  }
0x3b: {  	_ = 	snop  }
0x3c: {  	p2 =	seq.s32 s10, $0x1;
	s10 =	sld [smem:$0x3FB9]  }
0x3d: {  	_ =	shalt  }
0x3e: {  	_ =	shalt  }
0x3f: {  	_ =	shalt  }
0x40: {  	_ =	shalt  }
0x41: {  	_ =	shalt  }
0x42: {  	_ =	shalt  }
0x43: {  	_ =	shalt  }
0x44: {  	_ =	shalt  }
0x45: {  	_ =	shalt  }
0x46: {  	_ =	shalt  }
0x47: {  	_ =	shalt  }
0x48: {  	_ =	shalt  }
0x49: {  	_ =	shalt  }
0x4a: {  	_ =	shalt  }
0x4b: {  	_ =	shalt  }
0x4c: {  	_ =	shalt  }
0x4d: {  	_ =	shalt  }
0x4e: {  	_ =	shalt  }
0x4f: {  	_ =	shalt  }
0x50: {  	_ =	shalt  }
0x51: {  	_ =	shalt  }
0x52: {  	_ =	shalt  }
0x53: {  	_ =	shalt  }
0x54: {  	_ =	shalt  }
0x55: {  	_ =	shalt  }
0x56: {  	_ =	shalt  }
0x57: {  	_ =	shalt  }
0x58: {  	_ =	shalt  }
0x59: {  	_ =	shalt  }
0x5a: {  	_ =	shalt  }
0x5b: {  	_ =	shalt  }
0x5c: {  	_ =	shalt  }
0x5d: {  	_ =	shalt  }
0x5e: {  	_ =	shalt  }
0x5f: {  	_ =	shalt  }
0x60: {  	_ =	shalt  }
0x61: {  	_ =	shalt  }
0x62: {  	_ =	shalt  }
0x63: {  	_ =	shalt  }
0x64: {  	_ =	shalt  }
0x65: {  	_ =	shalt  }
0x66: {  	_ =	shalt  }
0x67: {  	_ =	shalt  }
0x68: {  	_ =	shalt  }
0x69: {  	_ =	shalt  }
0x6a: {  	_ =	shalt  }
0x6b: {  	_ =	shalt  }
0x6c: {  	_ =	shalt  }
0x6d: {  	_ =	shalt  }
0x6e: {  	_ =	shalt  }
0x6f: {  	_ =	shalt  }
0x70: {  	_ =	shalt  }
0x71: {  	_ =	shalt  }
0x72: {  	_ =	shalt  }
0x73: {  	_ =	shalt  }
0x74: {  	_ =	shalt  }
0x75: {  	_ =	shalt  }
0x76: {  	_ =	shalt  }
0x77: {  	_ =	shalt  }
0x78: {  	_ =	shalt  }
0x79: {  	_ =	shalt  }
0x7a: {  	_ =	shalt  }
0x7b: {  	_ =	shalt  }
0x7c: {  	_ =	shalt  }
0x7d: {  	_ =	shalt  }
0x7e: {  	_ =	shalt  }
0x7f: {  	_ =	shalt  }
0x80: {  	_ =	shalt  }
0x81: {  	_ =	shalt  }
0x82: {  	_ =	shalt  }
0x83: {  	_ =	shalt  }
0x84: {  	_ =	shalt  }
0x85: {  	_ =	shalt  }
0x86: {  	_ =	shalt  }
0x87: {  	_ =	shalt  }
.Lfunc_end0:
.L_simem_size_0:
called_computation_lowered:
.L_overlay_start_0:
0x88: {  	s2 =	sld [smem:$0x3FD9]  }
0x89: {  	s3 =	sld [smem:$0x3FFE];
	_ =	sdelay $0x1  }
0x8a: {  	s1 =	srdreg.scid  }
0x8b: {  	s0 =	sand.u32 $0x1, s1  }
0x8c: {  	s14 =	sshll.u32 s0, $0xA;
	s2 =	sadd.s32 s3, s2  }
0x8d: {  	s2 =	sadd.s32 s2, s14  }
0x8e: {  	[smem:$0x3FC5] =	sst s2  }
0x8f: {  	_ = 	snop  }
0x90: {  	s2 =	sld [smem:$0x3FD0];
	_ =	sdelay $0x2  }
0x91: {  	s15 =	simm.s32 $0xA;
	s4 =	simm.s32 $0x10  }
0x92: {  	[smem:s4], [sflag:s15] =	dma.local [hbm:s2], $0x1  }
0x93: {  	_ =	swait.eq [sflag:s15], $0x1  }
0x94: {  	[sflag:s15] =	ssyncset.done $0x0  }
0x95: {  	s16 =	sld [smem:$0x14];
	[sflag:s15] =	ssyncadd.s32 $0xFFFFFFFF  }
0x96: {  	s17 =	sld [smem:$0x16];
	(tm) =	ssettm $0x1  }
0x97: {  	s18 =	sld [smem:$0x3FFB];
	_ =	sdelay $0x3  }
0x98: {  	_ =	strace s18  }
0x99: {  	s4 =	sld [smem:$0x3FFC];
	_ =	sdelay $0x3  }
0x9a: {  	_ =	strace s4  }
0x9b: {  	s4 =	sld [smem:$0x3FFD];
	_ =	sdelay $0x3  }
0x9c: {  	_ =	strace s4  }
0x9d: {  	_ =	strace $0x8FFFFFFF  }
0x9e: {  	s19 =	sld [smem:$0x3FDB];
	_ =	sdelay $0x1  }
0x9f: {  	s5 =	simm.s32 $_scs_section_size  }
0xa0: {  	s6 =	simm.s32 $_size__tile_overlayer_lowered;
	s7 =	simm.s32 $_tile_overlayer_lowered  }
0xa1: {  	s22 =	simm.s32 $0x1BFF;
	s21 =	sshll.u32 s7, $0x1;
	s4 =	sadd.s32 s5, s19  }
0xa2: {  	s8 =	simm.s32 $0x0;
	s20 =	sshll.u32 s6, $0x1;
	s6 =	sadd.s32 s21, s4  }
0xa3: {  	[timem:s8], [sflag:s22] =	dma.local [hbm:s6], s20  }
0xa4: {  	_ =	swait.ge [sflag:s22], s20  }
0xa5: {  	s5 =	ssub.s32 $0x0, s20;
	[sflag:s22] =	ssyncset.done $0x0  }
0xa6: {  	[sflag:s22] =	ssyncadd.s32 s5;
	_ =	sdelay $0x1  }
0xa7: {  	s23 =	simm.s32 $0x1B8B  }
0xa8: {  	_ =	swait.ge [sflag:s23], $0x1  }
0xa9: {  	[sflag:s23] =	ssyncset.done $0x0  }
0xaa: {  	s25 =	simm.s32 $0x1B8E;
	s24 =	sld [smem:$0x3FFE];
	[sflag:s23] =	ssyncadd.s32 $0xFFFFFFFF  }
0xab: {  	s26 =	simm.s32 $execute0_lowered;
	[smem:$0x3FD2] =	sst s25  }
0xac: {  	s6 =	sshll.u32 s26, $0x1;
	_ =	strace $0x80000046;
	[dreg:$0x1] =	wrdreg $0xFFFFFFFF  }
0xad: {  	s28 =	simm.s32 $_size_execute0_lowered;
	s4 =	sadd.s32 s4, s6;
	[dreg:$0x0] =	wrdreg $0x0  }
0xae: {  	s6 =	sshll.u32 s28, $0x1;
	[dreg:$0x2] =	wrdreg s4  }
0xaf: {  	[dreg:$0x3] =	wrdreg s6  }
0xb0: {  	[dreg:$0x4] =	wrdreg $0xC0  }
0xb1: {  	_ =	task [dreg:s8], $0x5FFFF  }
0xb2: {  	[dreg:$0x1] =	wrdreg $0xFFFFFFFF  }
0xb3: {  	[dreg:$0x0] =	wrdreg $0x60  }
0xb4: {  	[dreg:$0x2] =	wrdreg s16  }
0xb5: {  	[dreg:$0x3] =	wrdreg s17  }
0xb6: {  	[dreg:$0x4] =	wrdreg s24  }
0xb7: {  	[dreg:$0x5] =	wrdreg $0x9  }
0xb8: {  	_ =	task.clear_ibuf [dreg:s8], $0x6FFFF;
	_ =	strace $0x90000046  }
0xb9: {  	s29 =	simm.s32 $0x9;
	_ =	strace $0x80000048  }
0xba: {  	_ =	swait.ge [sflag:s29], $0x1  }
0xbb: {  	[sflag:s29] =	ssyncadd.s32 $0xFFFFFFFF  }
0xbc: {  	_ =	strace $0x90000048  }
0xbd: {  	_ =	sfence  }
0xbe: {  	s30 =	sld [smem:$0x0];
	_ =	sdelay $0x2  }
0xbf: {  	s31 =	sshll.u32 s1, $0xD;
	s1 =	sshrl.u32 s1, $0x2  }
0xc0: {  	s3 =	sand.u32 $0x4000, s31;
	s1 =	sadd.s32 s1, s30  }
0xc1: {  	s0 =	sor.u32 s3, s0;
	s1 =	sshll.u32 s1, $0x11  }
0xc2: {  	s0 =	sor.u32 s1, s0  }
0xc3: {  	s0 =	sadd.s32 $0x8F2B, s0  }
0xc4: {  	[sflag:s0] =	ssyncadd.remote.s32 $0x1  }
0xc5: {  	_ =	sfence.sel $0xFFFF  }
0xc6: {  	[dreg:$0x0] =	wrdreg $0xFFFFFFFF;
	(pc) =	sbr.abs _section_cstart, $3  }
0xc7: {  	[dreg:$0x1] =	wrdreg $0xFFFFFFFF  }
0xc8: {  	_ =	task.clear_ibuf [dreg:s8], $0x2FFFF;
	_ =	strace $0x9FFFFFFF  }
0xc9: {  	(tm) =	ssettm $0x7FFFFFFF  }
tec
execute0_lowered:
.L_overlay_start_1:
0x0: {  	(tag) =	ssettag $0x1  }
0x1: {  	s3 =	rddreg [dreg:$0x0]  }
0x2: {  	s1 =	srdreg.scid;
	s4 =	rddreg [dreg:$0x1]  }
0x3: {  	s0 =	stileid.u32;
	s5 =	rddreg [dreg:$0x2]  }
0x4: {  	s7 =	simm.s32 $0x0;
	s2 =	sand.u32 $0x1, s1;
	s1 =	rddreg [dreg:$0x3]  }
0x5: {  	p1 =	por $0x0, $0x0;
	s20 =	sshll.u32 s0, $0x1;
	[smem:$0x7FF] =	sst s7  }
0x6: {  	s13 =	sadd.s32 $0x2A00, s5;
	s23 =	sshrl.u32 s0, $0x2;
	p0 =	sgt.u32 s0, $0xB  }
0x7: {  	s6 =	sor.u32 s2, s20;
	_ =	strace $0x80000047;
	s9 =	ssub.s32 $0x2, s2  }
0x8: {  	s2 =	sadd.s32 $0x1600, s5;
	s25 =	smul.u32 $0x10400, s23;
	s8 =	sshll.u32 s6, $0x4  }
0x9: {  	s10 =	sshrl.u32 s9, $0x1;
	s6 =	sand.u32 $0x7, s6;
	s21 =	sadd.s32 $0xFFFFFE80, s8  }
0xa: {  	s10 =	ssub.s32 s9, s10;
	s28 =	smul.u32 $0x66000, s6;
	s7 =	sshrl.u32 s21, $0x3  }
0xb: {  	s5 =	sadd.s32 $0x68A00, s5;
	s10 =	smax.u32 s10, $0x1;
	s11 =	smul.u32 $0x480, s7  }
0xc: {  	s8 =	sadd.s32 $0xFFFFFE88, s8;
	s12 =	smul.u32 $0x33000, s7;
	s18 =	sadd.s32 $0xFFFFFFFF, s10  }
0xd: {  	s29 =	sshrl.u32 s25, $0x3;
	s7 =	smul.u32 $0x1400, s7;
	p2 =	sne.s32 s18, $0x0  }
.Ltmp0:
0xe: {  	s8 =	sshrl.u32 s8, $0x3;
	s30 =	sadd.s32 s25, s28;
	(pc) =	sbr.rel @!p2 .LBB2_1-.Ltmp0, $4  }
0xf: {  	s22 =	smul.u32 $0x1400, s8;
	s10 =	simm.s32 @p0 $0x0;
	s31 =	sshrl.u32 s30, $0x3  }
0x10: {  	s9 =	sadd.s32 s4, s11;
	s24 =	sshrl.u32 s12, $0x3;
	s7 =	sadd.s32 s5, s7  }
0x11: {  	s4 =	sadd.s32 s3, s29;
	s3 =	sadd.s32 s13, s31;
	s26 =	sadd.s32 s13, s24  }
0x12: {  	s8 =	sadd.s32 s5, s22;
	s5 =	sadd.s32 $0x6600, s3;
	s6 =	sadd.s32 $0x6180, s26  }
0x13: {  	s11 =	simm.s32 @p0 $0x10400  }
0x14: {  	[tilespmem:s11], [sflag:$0x1] =	stream.linear.gather @p0 [hbm4b:s9+s10], $0x4800, $0x38;
	[tilespmem:$0x1EC00] =	vst v63  }
0x15: {  	s12 =	simm.s32 @p0 $0x14C00;
	s13 =	simm.s32 @p0 $0x1  }
0x16: {  	[tilespmem:s12], [sflag:$0x1] =	stream.linear.gather @p0 [hbm4b:s2+s10], $0xA000, $0x38;
	[tilespmem:$0x1EC00] =	vst v63  }
0x17: {  	_ =	swait.ge @p0 [sflag:s13], $0x4800  }
0x18: {  	[sflag:s13] =	ssyncset.done @p0 $0x0  }
0x19: {  	[sflag:s13] =	ssyncadd.s32 @p0 $0xFFFFB800  }
0x1a: {  	_ =	swait.ge @p0 [sflag:s13], $0xA000  }
0x1b: {  	[sflag:s13] =	ssyncset.done @p0 $0x0  }
0x1c: {  	s14 =	simm.s32 @p0 $0x2400;
	s15 =	simm.s32 @p0 $0x33000;
	[sflag:s13] =	ssyncadd.s32 @p0 $0xFFFF6000  }
0x1d: {  	[hbm4b:s6+s14] =	stream.strided.scatter @p0 [tilespmem:s11], [sflag:$0x1], $0x4800, s15, s14, $0x38;
	[tilespmem:$0x1EC00] =	vst v63  }
0x1e: {  	_ = 	snop  }
0x1f: {  	[hbm4b:s7+s10] =	stream.linear.scatter @p0 [tilespmem:s12], [sflag:$0x1], $0xA000, $0x38;
	[tilespmem:$0x1EC00] =	vst v63  }
0x20: {  	_ = 	snop  }
0x21: {  	[hbm4b:s8+s10] =	stream.linear.scatter @p0 [tilespmem:s12], [sflag:$0x1], $0xA000, $0x38;
	[tilespmem:$0x1EC00] =	vst v63  }
0x22: {  	_ =	swait.ge @p0 [sflag:s13], $0x4800  }
0x23: {  	[sflag:s13] =	ssyncset.done @p0 $0x0  }
0x24: {  	[sflag:s13] =	ssyncadd.s32 @p0 $0xFFFFB800  }
0x25: {  	_ =	swait.ge @p0 [sflag:s13], $0xA000  }
0x26: {  	[sflag:s13] =	ssyncset.done @p0 $0x0  }
0x27: {  	[sflag:s13] =	ssyncadd.s32 @p0 $0xFFFF6000  }
0x28: {  	_ =	swait.ge @p0 [sflag:s13], $0xA000  }
0x29: {  	[sflag:s13] =	ssyncset.done @p0 $0x0  }
0x2a: {  	s17 =	simm.s32 @!p0 $0x0;
	s16 =	simm.s32 @!p0 $0x1;
	[sflag:s13] =	ssyncadd.s32 @p0 $0xFFFF6000  }
0x2b: {  	[tilespmem:s17], [sflag:$0x1] =	stream.linear.gather @!p0 [hbm4b:s4+s17], $0x10400, $0x38;
	[tilespmem:$0x1EC00] =	vst v63  }
0x2c: {  	_ =	swait.ge @!p0 [sflag:s16], $0x10400  }
0x2d: {  	[sflag:s16] =	ssyncset.done @!p0 $0x0  }
0x2e: {  	s18 =	sadd.s32 $0xFFFFFFFF, s18;
	[sflag:s16] =	ssyncadd.s32 @!p0 $0xFFFEFC00  }
0x2f: {  	[hbm4b:s3+s17] =	stream.linear.scatter @!p0 [tilespmem:s17], [sflag:$0x1], $0x10400, $0x38;
	[tilespmem:$0x1EC00] =	vst v63  }
0x30: {  	p2 =	sne.s32 s18, $0x0  }
0x31: {  	[hbm4b:s5+s17] =	stream.linear.scatter @!p0 [tilespmem:s17], [sflag:$0x1], $0x10400, $0x38;
	[tilespmem:$0x1EC00] =	vst v63  }
.Ltmp1:
0x32: {  	_ =	swait.ge @!p0 [sflag:s16], $0x10400;
	(pc) =	sbr.rel @!p2 .LBB2_4-.Ltmp1, $4  }
0x33: {  	[sflag:s16] =	ssyncset.done @!p0 $0x0  }
0x34: {  	[sflag:s16] =	ssyncadd.s32 @!p0 $0xFFFEFC00  }
0x35: {  	_ =	swait.ge @!p0 [sflag:s16], $0x10400  }
0x36: {  	p1 =	por $0x1, $0x1;
	[sflag:s16] =	ssyncset.done @!p0 $0x0  }
.LBB2_3:
0x37: {  	s19 =	simm.s32 @p0 $0x0;
	[sflag:s16] =	ssyncadd.s32 @!p0 $0xFFFEFC00  }
0x38: {  	[tilespmem:s11], [sflag:$0x1] =	stream.linear.gather @p0 [hbm4b:s9+s10], $0x4800, $0x38;
	[tilespmem:$0x1EC00] =	vst v63  }
0x39: {  	s18 =	sadd.s32 $0xFFFFFFFF, s18  }
0x3a: {  	[tilespmem:s12], [sflag:$0x1] =	stream.linear.gather @p0 [hbm4b:s2+s10], $0xA000, $0x38;
	[tilespmem:$0x1EC00] =	vst v63  }
0x3b: {  	p2 =	sne.s32 s18, $0x0;
	_ =	swait.ge @p0 [sflag:s13], $0x4800  }
0x3c: {  	[sflag:s13] =	ssyncset.done @p0 $0x0  }
0x3d: {  	[sflag:s13] =	ssyncadd.s32 @p0 $0xFFFFB800  }
0x3e: {  	_ =	swait.ge @p0 [sflag:s13], $0xA000  }
0x3f: {  	[sflag:s13] =	ssyncset.done @p0 $0x0  }
0x40: {  	[sflag:s13] =	ssyncadd.s32 @p0 $0xFFFF6000  }
0x41: {  	[hbm4b:s6+s14] =	stream.strided.scatter @p0 [tilespmem:s11], [sflag:$0x1], $0x4800, s15, s14, $0x38;
	[tilespmem:$0x1EC00] =	vst v63  }
0x42: {  	_ = 	snop  }
0x43: {  	[hbm4b:s7+s10] =	stream.linear.scatter @p0 [tilespmem:s12], [sflag:$0x1], $0xA000, $0x38;
	[tilespmem:$0x1EC00] =	vst v63  }
0x44: {  	_ = 	snop  }
0x45: {  	[hbm4b:s8+s10] =	stream.linear.scatter @p0 [tilespmem:s12], [sflag:$0x1], $0xA000, $0x38;
	[tilespmem:$0x1EC00] =	vst v63  }
0x46: {  	s10 =	smov.u32 s19;
	_ =	swait.ge @p0 [sflag:s13], $0x4800  }
0x47: {  	[sflag:s13] =	ssyncset.done @p0 $0x0  }
0x48: {  	[sflag:s13] =	ssyncadd.s32 @p0 $0xFFFFB800  }
0x49: {  	_ =	swait.ge @p0 [sflag:s13], $0xA000  }
0x4a: {  	[sflag:s13] =	ssyncset.done @p0 $0x0  }
0x4b: {  	[sflag:s13] =	ssyncadd.s32 @p0 $0xFFFF6000  }
0x4c: {  	_ =	swait.ge @p0 [sflag:s13], $0xA000  }
0x4d: {  	[sflag:s13] =	ssyncset.done @p0 $0x0  }
0x4e: {  	[sflag:s13] =	ssyncadd.s32 @p0 $0xFFFF6000  }
0x4f: {  	[tilespmem:s17], [sflag:$0x1] =	stream.linear.gather @!p0 [hbm4b:s4+s17], $0x10400, $0x38;
	[tilespmem:$0x1EC00] =	vst v63  }
0x50: {  	_ =	swait.ge @!p0 [sflag:s16], $0x10400  }
0x51: {  	[sflag:s16] =	ssyncset.done @!p0 $0x0  }
0x52: {  	[sflag:s16] =	ssyncadd.s32 @!p0 $0xFFFEFC00  }
0x53: {  	[hbm4b:s3+s17] =	stream.linear.scatter @!p0 [tilespmem:s17], [sflag:$0x1], $0x10400, $0x38;
	[tilespmem:$0x1EC00] =	vst v63  }
0x54: {  	_ = 	snop  }
0x55: {  	[hbm4b:s5+s17] =	stream.linear.scatter @!p0 [tilespmem:s17], [sflag:$0x1], $0x10400, $0x38;
	[tilespmem:$0x1EC00] =	vst v63  }
.Ltmp2:
0x56: {  	_ =	swait.ge @!p0 [sflag:s16], $0x10400;
	(pc) =	sbr.rel @p2 .LBB2_3-.Ltmp2, $4  }
0x57: {  	[sflag:s16] =	ssyncset.done @!p0 $0x0  }
0x58: {  	[sflag:s16] =	ssyncadd.s32 @!p0 $0xFFFEFC00  }
0x59: {  	_ =	swait.ge @!p0 [sflag:s16], $0x10400  }
0x5a: {  	[sflag:s16] =	ssyncset.done @!p0 $0x0  }
.LBB2_4:
0x5b: {  	p1 =	por p0, !p1  }
0x5c: {  	s11 =	simm.s32 @p0 $0x10400;
	[sflag:s16] =	ssyncadd.s32 @!p1 $0xFFFEFC00  }
0x5d: {  	[tilespmem:s11], [sflag:$0x1] =	stream.linear.gather @p0 [hbm4b:s9+s10], $0x4800, $0x38;
	[tilespmem:$0x1EC00] =	vst v63  }
0x5e: {  	s12 =	simm.s32 @p0 $0x1;
	s9 =	simm.s32 @p0 $0x14C00  }
0x5f: {  	[tilespmem:s9], [sflag:$0x1] =	stream.linear.gather @p0 [hbm4b:s2+s10], $0xA000, $0x38;
	[tilespmem:$0x1EC00] =	vst v63  }
0x60: {  	_ =	swait.ge @p0 [sflag:s12], $0x4800  }
0x61: {  	[sflag:s12] =	ssyncset.done @p0 $0x0  }
0x62: {  	[sflag:s12] =	ssyncadd.s32 @p0 $0xFFFFB800  }
0x63: {  	_ =	swait.ge @p0 [sflag:s12], $0xA000  }
0x64: {  	[sflag:s12] =	ssyncset.done @p0 $0x0  }
0x65: {  	s13 =	simm.s32 @p0 $0x33000;
	s2 =	simm.s32 @p0 $0x2400;
	[sflag:s12] =	ssyncadd.s32 @p0 $0xFFFF6000  }
0x66: {  	[hbm4b:s6+s2] =	stream.strided.scatter @p0 [tilespmem:s11], [sflag:$0x1], $0x4800, s13, s2, $0x38;
	[tilespmem:$0x1EC00] =	vst v63  }
0x67: {  	_ = 	snop  }
0x68: {  	[hbm4b:s7+s10] =	stream.linear.scatter @p0 [tilespmem:s9], [sflag:$0x1], $0xA000, $0x38;
	[tilespmem:$0x1EC00] =	vst v63  }
0x69: {  	_ = 	snop  }
0x6a: {  	[hbm4b:s8+s10] =	stream.linear.scatter @p0 [tilespmem:s9], [sflag:$0x1], $0xA000, $0x38;
	[tilespmem:$0x1EC00] =	vst v63  }
0x6b: {  	_ =	swait.ge @p0 [sflag:s12], $0x4800  }
0x6c: {  	[sflag:s12] =	ssyncset.done @p0 $0x0  }
0x6d: {  	[sflag:s12] =	ssyncadd.s32 @p0 $0xFFFFB800  }
0x6e: {  	_ =	swait.ge @p0 [sflag:s12], $0xA000  }
0x6f: {  	[sflag:s12] =	ssyncset.done @p0 $0x0  }
0x70: {  	[sflag:s12] =	ssyncadd.s32 @p0 $0xFFFF6000  }
0x71: {  	_ =	swait.ge @p0 [sflag:s12], $0xA000  }
0x72: {  	[sflag:s12] =	ssyncset.done @p0 $0x0  }
0x73: {  	s2 =	simm.s32 @!p0 $0x0;
	s6 =	simm.s32 @!p0 $0x1;
	[sflag:s12] =	ssyncadd.s32 @p0 $0xFFFF6000  }
0x74: {  	[tilespmem:s2], [sflag:$0x1] =	stream.linear.gather @!p0 [hbm4b:s4+s2], $0x10400, $0x38;
	[tilespmem:$0x1EC00] =	vst v63  }
0x75: {  	_ =	swait.ge @!p0 [sflag:s6], $0x10400  }
0x76: {  	[sflag:s6] =	ssyncset.done @!p0 $0x0  }
0x77: {  	[sflag:s6] =	ssyncadd.s32 @!p0 $0xFFFEFC00  }
0x78: {  	[hbm4b:s3+s2] =	stream.linear.scatter @!p0 [tilespmem:s2], [sflag:$0x1], $0x10400, $0x38;
	[tilespmem:$0x1EC00] =	vst v63  }
0x79: {  	_ = 	snop  }
0x7a: {  	[hbm4b:s5+s2] =	stream.linear.scatter @!p0 [tilespmem:s2], [sflag:$0x1], $0x10400, $0x38;
	[tilespmem:$0x1EC00] =	vst v63  }
0x7b: {  	_ =	swait.ge @!p0 [sflag:s6], $0x10400  }
0x7c: {  	[sflag:s6] =	ssyncset.done @!p0 $0x0  }
0x7d: {  	[sflag:s6] =	ssyncadd.s32 @!p0 $0xFFFEFC00  }
0x7e: {  	_ =	swait.ge @!p0 [sflag:s6], $0x10400  }
0x7f: {  	[sflag:s6] =	ssyncset.done @!p0 $0x0  }
0x80: {  	[sflag:s6] =	ssyncadd.s32 @!p0 $0xFFFEFC00  }
0x81: {  	_ =	sfence.sel $0x180000  }
0x82: {  	[bflag:$0x0] =	sbarrier.arrive $0xFFFF  }
0x83: {  	p0 =	sne.s32 s0, $0x0;
	_ =	strace $0x90000047  }
0x84: {  	s0 =	sadd.s32 @!p0 $0x100000, s1;
	[bflag:$0x2] =	sbarrier.arrive $0xFFFF  }
0x85: {  	[sflag:s0] =	ssyncadd.tile.s32 @!p0 $0x1;
	_ =	shalt  }
.LBB2_1:
.Ltmp3:
0x86: {  	(pc) =	sbr.rel .LBB2_4-.Ltmp3, $2  }
0x87: {  	_ =	sdelay $0x2  }
0x88: {  	_ = 	snop  }
.Lfunc_end2:
_tile_overlayer_lowered:
.L_overlay_start_2:
0x89: {  	(tag) =	ssettag $0x2  }
0x8a: {  	s0 =	rddreg [dreg:$0x0];
	s2 =	stileid.u32  }
0x8b: {  	s1 =	rddreg [dreg:$0x1];
	p0 =	sne.s32 s2, $0x0  }
0x8c: {  	s3 =	rddreg [dreg:$0x2];
	[bflag:$0x3] =	sbarrier.arrive $0xFFFF;
	s2 =	simm.s32 @!p0 $0x1C02  }
0x8d: {  	[timem:s3], [sflag:s2] =	dma.local @!p0 [hbm:s0], s1  }
0x8e: {  	s0 =	simm.s32 @!p0 $0x2  }
0x8f: {  	_ =	swait.ge @!p0 [sflag:s0], s1  }
0x90: {  	s1 =	ssub.s32 @!p0 $0x0, s1;
	[sflag:s0] =	ssyncset.done @!p0 $0x0  }
0x91: {  	[sflag:s0] =	ssyncadd.s32 @!p0 s1  }
0x92: {  	[bflag:$0x3] =	sbarrier.arrive $0xFFFF  }
0x93: {  	_ =	shalt  }

</sc_bundles>
